<compile_context>
chip_gen: v7x
topology: tpu7x:2x2x1
jax: 0.10.2.dev20260603
libtpu: 0.0.44.dev20260713+nightly
codegen_flags: <defaults>
</compile_context>

<pallas_src>
import jax
import jax.numpy as jnp
from jax import lax
from jax.experimental import pallas as pl
from jax.experimental.pallas import tpu as pltpu
from jax.experimental.pallas import tpu_sc as plsc

N_NODES = 10000
H = 128
CHUNK = 128
NC = 2
NS = 16
NP = -(-(N_NODES + 1) // (NS * CHUNK)) * (NS * CHUNK)
BR = 2048


def _sc_segment_sum(idx_g, idx_s, tab, zeros):
    rt = idx_s.shape[0]
    cpt = rt // (NC * NS)
    blk = cpt // 2
    stripe = NP // NS
    sub = stripe // CHUNK

    def body(gidx_h, sidx_h, tab_h, zeros_h, out_h,
             gi_v, si_v, r0, r1, s0, s1, acc):
        c = lax.axis_index("c")
        s = lax.axis_index("s")
        base = (c * NS + s) * cpt
        pltpu.sync_copy(zeros_h.at[pl.ds(s * stripe, stripe)],
                        acc.at[pl.ds(s * stripe, stripe)])
        plsc.subcore_barrier()

        for b in range(2):
            pltpu.sync_copy(gidx_h.at[pl.ds(base + b * blk, blk)], gi_v)
            pltpu.sync_copy(sidx_h.at[pl.ds(base + b * blk, blk)], si_v)

            pltpu.async_copy(tab_h.at[gi_v.at[0]], r0, s0)
            pltpu.async_copy(tab_h.at[gi_v.at[1]], r1, s1)

            def pair(k, carry):
                j0 = 2 * k
                pltpu.make_async_copy(tab_h.at[gi_v.at[j0]], r0, s0).wait()
                pltpu.sync_copy(r0, acc.at[si_v.at[j0]], add=True)

                @pl.when(j0 + 2 < blk)
                def _():
                    pltpu.async_copy(tab_h.at[gi_v.at[j0 + 2]], r0, s0)

                j1 = j0 + 1
                pltpu.make_async_copy(tab_h.at[gi_v.at[j1]], r1, s1).wait()
                pltpu.sync_copy(r1, acc.at[si_v.at[j1]], add=True)

                @pl.when(j1 + 2 < blk)
                def _():
                    pltpu.async_copy(tab_h.at[gi_v.at[j1 + 2]], r1, s1)

                return carry

            lax.fori_loop(0, blk // 2, pair, 0)
        plsc.subcore_barrier()

        for t in range(sub):
            off = s * stripe + t * CHUNK
            pltpu.sync_copy(acc.at[pl.ds(off, CHUNK)], r0)
            pltpu.sync_copy(r0, out_h.at[pl.ds(c * NP + off, CHUNK)])

    mesh = plsc.VectorSubcoreMesh(core_axis_name="c", subcore_axis_name="s",
                                  num_cores=NC, num_subcores=NS)
    return pl.kernel(
        body,
        out_type=jax.ShapeDtypeStruct((NC * NP, H), jnp.float32),
        mesh=mesh,
        scratch_types=[
            pltpu.VMEM((blk, CHUNK), jnp.int32),
            pltpu.VMEM((blk, CHUNK), jnp.int32),
            pltpu.VMEM((CHUNK, H), jnp.float32),
            pltpu.VMEM((CHUNK, H), jnp.float32),
            pltpu.SemaphoreType.DMA,
            pltpu.SemaphoreType.DMA,
            pltpu.VMEM_SHARED((NP, H), jnp.float32),
        ],
    )(idx_g, idx_s, tab, zeros)


def _tc_mm(tab, w):

    def body(t_ref, w_ref, o_ref):
        o_ref[...] = jnp.dot(t_ref[...], w_ref[...],
                             preferred_element_type=jnp.float32)

    return pl.pallas_call(
        body,
        grid=(NP // BR,),
        in_specs=[
            pl.BlockSpec((BR, H), lambda i: (i, 0)),
            pl.BlockSpec((H, H), lambda i: (0, 0)),
        ],
        out_specs=pl.BlockSpec((BR, H), lambda i: (i, 0)),
        out_shape=jax.ShapeDtypeStruct((NP, H), jnp.float32),
    )(tab, w)


def _tc_relu_mm(part, w):
    part3 = part.reshape(NC, NP, H)

    def body(p_ref, w_ref, o_ref):
        r = jnp.maximum(p_ref[0] + p_ref[1], 0.0)
        o_ref[...] = jnp.dot(r, w_ref[...],
                             preferred_element_type=jnp.float32)

    return pl.pallas_call(
        body,
        grid=(NP // BR,),
        in_specs=[
            pl.BlockSpec((NC, BR, H), lambda i: (0, i, 0)),
            pl.BlockSpec((H, H), lambda i: (0, 0)),
        ],
        out_specs=pl.BlockSpec((BR, H), lambda i: (i, 0)),
        out_shape=jax.ShapeDtypeStruct((NP, H), jnp.float32),
    )(part3, w)


def _tc_update(part, h, w_v2c, w_v2v, w_ih, w_hh, b_ih, b_hh):
    part3 = part.reshape(NC, NP, H)

    def body(p_ref, h_ref, wc_ref, wv_ref, wih_ref, whh_ref,
             bih_ref, bhh_ref, hn_ref, m1_ref):
        y = jnp.maximum(p_ref[0] + p_ref[1], 0.0)
        z = jnp.maximum(
            jnp.dot(y, wv_ref[...], preferred_element_type=jnp.float32), 0.0)
        hh = h_ref[...]
        gi = lax.dot_general(z, wih_ref[...], (((1,), (1,)), ((), ())),
                             preferred_element_type=jnp.float32) + bih_ref[...]
        gh = lax.dot_general(hh, whh_ref[...], (((1,), (1,)), ((), ())),
                             preferred_element_type=jnp.float32) + bhh_ref[...]
        r = jax.nn.sigmoid(gi[:, :H] + gh[:, :H])
        zg = jax.nn.sigmoid(gi[:, H:2 * H] + gh[:, H:2 * H])
        n = jnp.tanh(gi[:, 2 * H:] + r * gh[:, 2 * H:])
        hn = (1.0 - zg) * n + zg * hh
        row0 = pl.program_id(0) * BR
        mask = row0 + lax.broadcasted_iota(jnp.int32, (BR, 1), 0) < N_NODES
        hn = jnp.where(mask, hn, 0.0)
        hn_ref[...] = hn
        m1_ref[...] = jnp.dot(hn, wc_ref[...],
                              preferred_element_type=jnp.float32)

    wspec = pl.BlockSpec((3 * H, H), lambda i: (0, 0))
    bspec = pl.BlockSpec((3 * H,), lambda i: (0,))
    return pl.pallas_call(
        body,
        grid=(NP // BR,),
        in_specs=[
            pl.BlockSpec((NC, BR, H), lambda i: (0, i, 0)),
            pl.BlockSpec((BR, H), lambda i: (i, 0)),
            pl.BlockSpec((H, H), lambda i: (0, 0)),
            pl.BlockSpec((H, H), lambda i: (0, 0)),
            wspec, wspec, bspec, bspec,
        ],
        out_specs=(pl.BlockSpec((BR, H), lambda i: (i, 0)),
                   pl.BlockSpec((BR, H), lambda i: (i, 0))),
        out_shape=(jax.ShapeDtypeStruct((NP, H), jnp.float32),
                   jax.ShapeDtypeStruct((NP, H), jnp.float32)),
    )(part3, h, w_v2c, w_v2v, w_ih, w_hh, b_ih, b_hh)


def _tc_policy(h, w_pol):

    def body(h_ref, wp_ref, o_ref):
        lg = jnp.dot(h_ref[...], wp_ref[...][:, None],
                     preferred_element_type=jnp.float32)
        o_ref[...] = jnp.broadcast_to(lg, (NP, H))

    return pl.pallas_call(
        body,
        out_shape=jax.ShapeDtypeStruct((NP, H), jnp.float32),
    )(h, w_pol)


def kernel(edge_index, h_val_init, W_v2c, W_c2v, W_v2v, W_ih, W_hh,
           b_ih, b_hh, w_pol, steps):
    e = edge_index.shape[1]
    rt = -(-e // (CHUNK * NC * NS * 8)) * (NC * NS * 8)
    pe = rt * CHUNK

    src = edge_index[0].astype(jnp.int32)
    dst = edge_index[1].astype(jnp.int32)
    fill = jnp.full((pe - e,), N_NODES, jnp.int32)
    src_p = jnp.concatenate([src, fill]).reshape(rt, CHUNK)
    dst_p = jnp.concatenate([dst, fill]).reshape(rt, CHUNK)

    zeros = jnp.zeros((NP, H), jnp.float32)
    hrow = jnp.broadcast_to(h_val_init, (N_NODES, H))
    pad = jnp.zeros((NP - N_NODES, H), jnp.float32)
    h0 = jnp.concatenate([hrow, pad])
    m1_0 = _tc_mm(h0, W_v2c)

    def step(_, carry):
        h, m1 = carry
        part1 = _sc_segment_sum(src_p, dst_p, m1, zeros)
        m2 = _tc_relu_mm(part1, W_c2v)
        part2 = _sc_segment_sum(dst_p, src_p, m2, zeros)
        return _tc_update(part2, h, W_v2c, W_v2v, W_ih, W_hh, b_ih, b_hh)

    h_fin, _m1 = lax.fori_loop(0, steps, step, (h0, m1_0))
    lg = _tc_policy(h_fin, w_pol)
    return lg[:N_NODES, 0]

# --- scband reference (transcript-rebuilt; emitter-appended) ---
"""Pipeline reference for scband-anycq-11141145166213 (READ-ONLY COPY).

The authoritative reference and input builder live on the scoring server;
editing this copy changes nothing except your own understanding.
"""

import jax, jax.numpy as jnp
import numpy as np

N_VAL = 10000
N_CST = 10000
E = 320000
H = 128
STEPS = 4


def setup_inputs(seed: int = 0) -> dict:
    key = jax.random.key(seed)
    ks = jax.random.split(key, 12)
    s = 1.0 / np.sqrt(H)
    edge_index = jax.random.randint(ks[0], (2, E), 0, N_VAL)
    h_val_init = jax.random.normal(ks[1], (1, H), dtype=jnp.float32)
    W_v2c = jax.random.uniform(ks[2], (H, H), minval=-s, maxval=s, dtype=jnp.float32)
    W_c2v = jax.random.uniform(ks[3], (H, H), minval=-s, maxval=s, dtype=jnp.float32)
    W_v2v = jax.random.uniform(ks[4], (H, H), minval=-s, maxval=s, dtype=jnp.float32)
    W_ih = jax.random.uniform(ks[5], (3 * H, H), minval=-s, maxval=s, dtype=jnp.float32)
    W_hh = jax.random.uniform(ks[6], (3 * H, H), minval=-s, maxval=s, dtype=jnp.float32)
    b_ih = jax.random.uniform(ks[7], (3 * H,), minval=-s, maxval=s, dtype=jnp.float32)
    b_hh = jax.random.uniform(ks[8], (3 * H,), minval=-s, maxval=s, dtype=jnp.float32)
    w_pol = jax.random.uniform(ks[9], (H,), minval=-s, maxval=s, dtype=jnp.float32)
    return {
        'edge_index': edge_index,
        'h_val_init': h_val_init,
        'W_v2c': W_v2c,
        'W_c2v': W_c2v,
        'W_v2v': W_v2v,
        'W_ih': W_ih,
        'W_hh': W_hh,
        'b_ih': b_ih,
        'b_hh': b_hh,
        'w_pol': w_pol,
        'steps': STEPS,
    }


def _gru_cell(x, h, W_ih, W_hh, b_ih, b_hh):
    gi = x @ W_ih.T + b_ih
    gh = h @ W_hh.T + b_hh
    i_r, i_z, i_n = jnp.split(gi, 3, axis=1)
    h_r, h_z, h_n = jnp.split(gh, 3, axis=1)
    r = jax.nn.sigmoid(i_r + h_r)
    z = jax.nn.sigmoid(i_z + h_z)
    n = jnp.tanh(i_n + r * h_n)
    return (1.0 - z) * n + z * h


def reference(edge_index, h_val_init, W_v2c, W_c2v, W_v2v, W_ih, W_hh, b_ih, b_hh, w_pol, steps):
    src = edge_index[0]  # value-node ids per edge
    dst = edge_index[1]  # constraint ids per edge
    h_val = jnp.tile(h_val_init, (N_VAL, 1))
    logits = jnp.zeros((N_VAL,), dtype=jnp.float32)

    def body(_, carry):
        h_val, logits = carry
        # Val2Cst: gather value states along edges, transform, scatter-add into constraints
        msg = jnp.take(h_val, src, axis=0) @ W_v2c
        r_cst = jax.nn.relu(jax.ops.segment_sum(msg, dst, num_segments=N_CST))
        # Cst2Val: gather constraint summaries back along edges, scatter-add into values
        back = jnp.take(r_cst, dst, axis=0) @ W_c2v
        y_val = jax.nn.relu(jax.ops.segment_sum(back, src, num_segments=N_VAL))
        # Val2Val mixing
        z_val = jax.nn.relu(y_val @ W_v2v)
        # GRUCell recurrent update of value hidden states
        h_val = _gru_cell(z_val, h_val, W_ih, W_hh, b_ih, b_hh)
        # Policy head -> per-value logits
        logits = h_val @ w_pol
        return (h_val, logits)

    h_val, logits = jax.lax.fori_loop(0, steps, body, (h_val, logits))
    return logits

if __name__ == "__main__":
    import jax
    _d = setup_inputs()
    print(jax.jit(kernel)(*tuple(_d.values())))

</pallas_src>

<mosaic_0001>
#map = affine_map<(d0, d1) -> (0, 0)>
module attributes {stable_mosaic.version = 14 : i64} {
  func.func @body(%arg0: i32, %arg1: i32, %arg2: memref<2560x128xi32, #tpu.memory_space<hbm>>, %arg3: memref<2560x128xi32, #tpu.memory_space<hbm>>, %arg4: memref<10240x128xf32, #tpu.memory_space<hbm>>, %arg5: memref<10240x128xf32, #tpu.memory_space<hbm>>, %arg6: memref<20480x128xf32, #tpu.memory_space<hbm>>, %arg7: memref<40x128xi32, #tpu.memory_space<vmem>>, %arg8: memref<40x128xi32, #tpu.memory_space<vmem>>, %arg9: memref<128x128xf32, #tpu.memory_space<vmem>>, %arg10: memref<128x128xf32, #tpu.memory_space<vmem>>, %arg11: memref<!tpu.dma_semaphore, #tpu.memory_space<semaphore_mem>>, %arg12: memref<!tpu.dma_semaphore, #tpu.memory_space<semaphore_mem>>, %arg13: memref<10240x128xf32, #tpu.memory_space<vmem_shared>>) attributes {dimension_semantics = [#tpu.dimension_semantics<core_parallel>, #tpu.dimension_semantics<subcore_parallel>], iteration_bounds = array<i64: 2, 16>, scalar_prefetch = 0 : i64, scratch_operands = 7 : i64, tpu.core_type = #tpu.core_type<sc_vector_subcore>, window_params = [{transform_indices = #map}, {transform_indices = #map}, {transform_indices = #map}, {transform_indices = #map}, {transform_indices = #map}]} {
    %mul3A = arith.constant 16 : i32
    %mul3A_0 = arith.muli %arg0, %mul3A : i32
    %add3A = arith.addi %mul3A_0, %arg1 : i32
    %mul3A_1 = arith.constant 80 : i32
    %mul3A_2 = arith.muli %add3A, %mul3A_1 : i32
    %mul3A_3 = arith.constant 640 : i32
    %mul3A_4 = arith.muli %arg1, %mul3A_3 : i32
    %mul3A_5 = arith.constant 640 : i32
    %mul3A_6 = arith.muli %arg1, %mul3A_5 : i32
    "tpu.region"() ({
      %run_scoped3A = tpu.sem_alloc : memref<!tpu.dma_semaphore, #tpu.memory_space<semaphore_mem>>
      %dma_start3A_89 = arith.constant 0 : i32
      %dma_start3A_90 = tpu.memref_slice %arg13[%mul3A_6, %dma_start3A_89] : memref<10240x128xf32, #tpu.memory_space<vmem_shared>> -> memref<640x128xf32, #tpu.memory_space<vmem_shared>>
      %dma_start3A_91 = arith.constant 0 : i32
      %dma_start3A_92 = tpu.memref_slice %arg5[%mul3A_4, %dma_start3A_91] : memref<10240x128xf32, #tpu.memory_space<hbm>> -> memref<640x128xf32, #tpu.memory_space<hbm>>
      tpu.enqueue_dma source(%dma_start3A_92 : memref<640x128xf32, #tpu.memory_space<hbm>>) target(%dma_start3A_90 : memref<640x128xf32, #tpu.memory_space<vmem_shared>>) target_semaphore(%run_scoped3A : memref<!tpu.dma_semaphore, #tpu.memory_space<semaphore_mem>>)
      %dma_wait3A = arith.constant 0 : i32
      %dma_wait3A_93 = tpu.memref_slice %arg13[%mul3A_6, %dma_wait3A] : memref<10240x128xf32, #tpu.memory_space<vmem_shared>> -> memref<640x128xf32, #tpu.memory_space<vmem_shared>>
      %dma_wait3A_94 = arith.constant 0 : i32
      %dma_wait3A_95 = tpu.memref_slice %arg5[%mul3A_4, %dma_wait3A_94] : memref<10240x128xf32, #tpu.memory_space<hbm>> -> memref<640x128xf32, #tpu.memory_space<hbm>>
      tpu.wait_dma2 semaphore(%run_scoped3A : memref<!tpu.dma_semaphore, #tpu.memory_space<semaphore_mem>>) src(%dma_wait3A_95 : memref<640x128xf32, #tpu.memory_space<hbm>>) dst(%dma_wait3A_93 : memref<640x128xf32, #tpu.memory_space<vmem_shared>>)
      tpu.yield
    }) : () -> ()
    %barrier3A = arith.constant 0 : index
    tpu.barrier barrier_id(%barrier3A)
    %add3A_7 = arith.constant 0 : i32
    %add3A_8 = arith.addi %mul3A_2, %add3A_7 : i32
    "tpu.region"() ({
      %run_scoped3A = tpu.sem_alloc : memref<!tpu.dma_semaphore, #tpu.memory_space<semaphore_mem>>
      %dma_start3A_89 = arith.constant 0 : i32
      %dma_start3A_90 = tpu.memref_slice %arg2[%add3A_8, %dma_start3A_89] : memref<2560x128xi32, #tpu.memory_space<hbm>> -> memref<40x128xi32, #tpu.memory_space<hbm>>
      %dma_start3A_91 = arith.constant 0 : i32
      %dma_start3A_92 = tpu.memref_slice %arg2[%add3A_8, %dma_start3A_91] : memref<2560x128xi32, #tpu.memory_space<hbm>> -> memref<40x128xi32, #tpu.memory_space<hbm>>
      tpu.enqueue_dma source(%dma_start3A_92 : memref<40x128xi32, #tpu.memory_space<hbm>>) target(%arg7 : memref<40x128xi32, #tpu.memory_space<vmem>>) target_semaphore(%run_scoped3A : memref<!tpu.dma_semaphore, #tpu.memory_space<semaphore_mem>>)
      %dma_wait3A = arith.constant 0 : i32
      %dma_wait3A_93 = tpu.memref_slice %arg2[%add3A_8, %dma_wait3A] : memref<2560x128xi32, #tpu.memory_space<hbm>> -> memref<40x128xi32, #tpu.memory_space<hbm>>
      %dma_wait3A_94 = arith.constant 0 : i32
      %dma_wait3A_95 = tpu.memref_slice %arg2[%add3A_8, %dma_wait3A_94] : memref<2560x128xi32, #tpu.memory_space<hbm>> -> memref<40x128xi32, #tpu.memory_space<hbm>>
      tpu.wait_dma2 semaphore(%run_scoped3A : memref<!tpu.dma_semaphore, #tpu.memory_space<semaphore_mem>>) src(%dma_wait3A_95 : memref<40x128xi32, #tpu.memory_space<hbm>>) dst(%arg7 : memref<40x128xi32, #tpu.memory_space<vmem>>)
      tpu.yield
    }) : () -> ()
    %add3A_9 = arith.constant 0 : i32
    %add3A_10 = arith.addi %mul3A_2, %add3A_9 : i32
    "tpu.region"() ({
      %run_scoped3A = tpu.sem_alloc : memref<!tpu.dma_semaphore, #tpu.memory_space<semaphore_mem>>
      %dma_start3A_89 = arith.constant 0 : i32
      %dma_start3A_90 = tpu.memref_slice %arg3[%add3A_10, %dma_start3A_89] : memref<2560x128xi32, #tpu.memory_space<hbm>> -> memref<40x128xi32, #tpu.memory_space<hbm>>
      %dma_start3A_91 = arith.constant 0 : i32
      %dma_start3A_92 = tpu.memref_slice %arg3[%add3A_10, %dma_start3A_91] : memref<2560x128xi32, #tpu.memory_space<hbm>> -> memref<40x128xi32, #tpu.memory_space<hbm>>
      tpu.enqueue_dma source(%dma_start3A_92 : memref<40x128xi32, #tpu.memory_space<hbm>>) target(%arg8 : memref<40x128xi32, #tpu.memory_space<vmem>>) target_semaphore(%run_scoped3A : memref<!tpu.dma_semaphore, #tpu.memory_space<semaphore_mem>>)
      %dma_wait3A = arith.constant 0 : i32
      %dma_wait3A_93 = tpu.memref_slice %arg3[%add3A_10, %dma_wait3A] : memref<2560x128xi32, #tpu.memory_space<hbm>> -> memref<40x128xi32, #tpu.memory_space<hbm>>
      %dma_wait3A_94 = arith.constant 0 : i32
      %dma_wait3A_95 = tpu.memref_slice %arg3[%add3A_10, %dma_wait3A_94] : memref<2560x128xi32, #tpu.memory_space<hbm>> -> memref<40x128xi32, #tpu.memory_space<hbm>>
      tpu.wait_dma2 semaphore(%run_scoped3A : memref<!tpu.dma_semaphore, #tpu.memory_space<semaphore_mem>>) src(%dma_wait3A_95 : memref<40x128xi32, #tpu.memory_space<hbm>>) dst(%arg8 : memref<40x128xi32, #tpu.memory_space<vmem>>)
      tpu.yield
    }) : () -> ()
    %dma_start3A = arith.constant 0 : i32
    %dma_start3A_11 = arith.constant 0 : i32
    %dma_start3A_12 = tpu.memref_slice %arg7[%dma_start3A, %dma_start3A_11] : memref<40x128xi32, #tpu.memory_space<vmem>> -> memref<1x128xi32, #tpu.memory_space<vmem>>
    %dma_start3A_13 = tpu.memref_squeeze %dma_start3A_12 : memref<1x128xi32, #tpu.memory_space<vmem>> -> memref<128xi32, #tpu.memory_space<vmem>>
    %dma_start3A_14 = arith.constant 0 : i32
    %dma_start3A_15 = arith.constant 0 : i32
    %dma_start3A_16 = tpu.memref_slice %arg4[%dma_start3A_14, %dma_start3A_15] : memref<10240x128xf32, #tpu.memory_space<hbm>> -> memref<10240x128xf32, #tpu.memory_space<hbm>>
    tpu.enqueue_indirect_dma source(%dma_start3A_16 : memref<10240x128xf32, #tpu.memory_space<hbm>>) target(%arg9 : memref<128x128xf32, #tpu.memory_space<vmem>>) offsets(%dma_start3A_13 : memref<128xi32, #tpu.memory_space<vmem>>) semaphore(%arg11 : memref<!tpu.dma_semaphore, #tpu.memory_space<semaphore_mem>>)
    %dma_start3A_17 = arith.constant 1 : i32
    %dma_start3A_18 = arith.constant 0 : i32
    %dma_start3A_19 = tpu.memref_slice %arg7[%dma_start3A_17, %dma_start3A_18] : memref<40x128xi32, #tpu.memory_space<vmem>> -> memref<1x128xi32, #tpu.memory_space<vmem>>
    %dma_start3A_20 = tpu.memref_squeeze %dma_start3A_19 : memref<1x128xi32, #tpu.memory_space<vmem>> -> memref<128xi32, #tpu.memory_space<vmem>>
    %dma_start3A_21 = arith.constant 0 : i32
    %dma_start3A_22 = arith.constant 0 : i32
    %dma_start3A_23 = tpu.memref_slice %arg4[%dma_start3A_21, %dma_start3A_22] : memref<10240x128xf32, #tpu.memory_space<hbm>> -> memref<10240x128xf32, #tpu.memory_space<hbm>>
    tpu.enqueue_indirect_dma source(%dma_start3A_23 : memref<10240x128xf32, #tpu.memory_space<hbm>>) target(%arg10 : memref<128x128xf32, #tpu.memory_space<vmem>>) offsets(%dma_start3A_20 : memref<128xi32, #tpu.memory_space<vmem>>) semaphore(%arg12 : memref<!tpu.dma_semaphore, #tpu.memory_space<semaphore_mem>>)
    %scan3A = arith.constant 0 : i32
    %scan3A_24 = arith.constant 0 : i32
    %scan3A_25 = arith.constant 20 : i32
    %scan3A_26 = arith.addi %scan3A_24, %scan3A_25 : i32
    %scan3A_27 = arith.constant 1 : i32
    scf.for %scan3A_89 = %scan3A_24 to %scan3A_26 step %scan3A_27  : i32 {
      %mul3A_90 = arith.constant 2 : i32
      %mul3A_91 = arith.muli %mul3A_90, %scan3A_89 : i32
      %dma_wait3A = arith.constant 0 : i32
      %dma_wait3A_92 = tpu.memref_slice %arg7[%mul3A_91, %dma_wait3A] : memref<40x128xi32, #tpu.memory_space<vmem>> -> memref<1x128xi32, #tpu.memory_space<vmem>>
      %dma_wait3A_93 = tpu.memref_squeeze %dma_wait3A_92 : memref<1x128xi32, #tpu.memory_space<vmem>> -> memref<128xi32, #tpu.memory_space<vmem>>
      %dma_wait3A_94 = arith.constant 0 : i32
      %dma_wait3A_95 = arith.constant 0 : i32
      %dma_wait3A_96 = tpu.memref_slice %arg4[%dma_wait3A_94, %dma_wait3A_95] : memref<10240x128xf32, #tpu.memory_space<hbm>> -> memref<10240x128xf32, #tpu.memory_space<hbm>>
      tpu.wait_indirect_dma semaphore(%arg11 : memref<!tpu.dma_semaphore, #tpu.memory_space<semaphore_mem>>) src(%dma_wait3A_96 : memref<10240x128xf32, #tpu.memory_space<hbm>>) dst(%arg9 : memref<128x128xf32, #tpu.memory_space<vmem>>)
      "tpu.region"() ({
        %run_scoped3A = tpu.sem_alloc : memref<!tpu.dma_semaphore, #tpu.memory_space<semaphore_mem>>
        %dma_start3A_116 = arith.constant 0 : i32
        %dma_start3A_117 = tpu.memref_slice %arg8[%mul3A_91, %dma_start3A_116] : memref<40x128xi32, #tpu.memory_space<vmem>> -> memref<1x128xi32, #tpu.memory_space<vmem>>
        %dma_start3A_118 = tpu.memref_squeeze %dma_start3A_117 : memref<1x128xi32, #tpu.memory_space<vmem>> -> memref<128xi32, #tpu.memory_space<vmem>>
        %dma_start3A_119 = arith.constant 0 : i32
        %dma_start3A_120 = arith.constant 0 : i32
        %dma_start3A_121 = tpu.memref_slice %arg13[%dma_start3A_119, %dma_start3A_120] : memref<10240x128xf32, #tpu.memory_space<vmem_shared>> -> memref<10240x128xf32, #tpu.memory_space<vmem_shared>>
        tpu.enqueue_indirect_dma source(%arg9 : memref<128x128xf32, #tpu.memory_space<vmem>>) target(%dma_start3A_121 : memref<10240x128xf32, #tpu.memory_space<vmem_shared>>) offsets(%dma_start3A_118 : memref<128xi32, #tpu.memory_space<vmem>>) semaphore(%run_scoped3A : memref<!tpu.dma_semaphore, #tpu.memory_space<semaphore_mem>>) {add = true}
        %dma_wait3A_122 = arith.constant 0 : i32
        %dma_wait3A_123 = tpu.memref_slice %arg8[%mul3A_91, %dma_wait3A_122] : memref<40x128xi32, #tpu.memory_space<vmem>> -> memref<1x128xi32, #tpu.memory_space<vmem>>
        %dma_wait3A_124 = tpu.memref_squeeze %dma_wait3A_123 : memref<1x128xi32, #tpu.memory_space<vmem>> -> memref<128xi32, #tpu.memory_space<vmem>>
        %dma_wait3A_125 = arith.constant 0 : i32
        %dma_wait3A_126 = arith.constant 0 : i32
        %dma_wait3A_127 = tpu.memref_slice %arg13[%dma_wait3A_125, %dma_wait3A_126] : memref<10240x128xf32, #tpu.memory_space<vmem_shared>> -> memref<10240x128xf32, #tpu.memory_space<vmem_shared>>
        tpu.wait_indirect_dma semaphore(%run_scoped3A : memref<!tpu.dma_semaphore, #tpu.memory_space<semaphore_mem>>) src(%arg9 : memref<128x128xf32, #tpu.memory_space<vmem>>) dst(%dma_wait3A_127 : memref<10240x128xf32, #tpu.memory_space<vmem_shared>>)
        tpu.yield
      }) : () -> ()
      %add3A_97 = arith.constant 2 : i32
      %add3A_98 = arith.addi %mul3A_91, %add3A_97 : i32
      %lt3A = arith.constant 40 : i32
      %lt3A_99 = arith.cmpi slt, %add3A_98, %lt3A : i32
      %convert_element_type3A = arith.extui %lt3A_99 : i1 to i32
      %cond3A = arith.constant 0 : i32
      %cond3A_100 = arith.cmpi ne, %convert_element_type3A, %cond3A : i32
      scf.if %cond3A_100 {
        %add3A_116 = arith.constant 2 : i32
        %add3A_117 = arith.addi %mul3A_91, %add3A_116 : i32
        %dma_start3A_118 = arith.constant 0 : i32
        %dma_start3A_119 = tpu.memref_slice %arg7[%add3A_117, %dma_start3A_118] : memref<40x128xi32, #tpu.memory_space<vmem>> -> memref<1x128xi32, #tpu.memory_space<vmem>>
        %dma_start3A_120 = tpu.memref_squeeze %dma_start3A_119 : memref<1x128xi32, #tpu.memory_space<vmem>> -> memref<128xi32, #tpu.memory_space<vmem>>
        %dma_start3A_121 = arith.constant 0 : i32
        %dma_start3A_122 = arith.constant 0 : i32
        %dma_start3A_123 = tpu.memref_slice %arg4[%dma_start3A_121, %dma_start3A_122] : memref<10240x128xf32, #tpu.memory_space<hbm>> -> memref<10240x128xf32, #tpu.memory_space<hbm>>
        tpu.enqueue_indirect_dma source(%dma_start3A_123 : memref<10240x128xf32, #tpu.memory_space<hbm>>) target(%arg9 : memref<128x128xf32, #tpu.memory_space<vmem>>) offsets(%dma_start3A_120 : memref<128xi32, #tpu.memory_space<vmem>>) semaphore(%arg11 : memref<!tpu.dma_semaphore, #tpu.memory_space<semaphore_mem>>)
      } else {
      }
      %add3A_101 = arith.constant 1 : i32
      %add3A_102 = arith.addi %mul3A_91, %add3A_101 : i32
      %dma_wait3A_103 = arith.constant 0 : i32
      %dma_wait3A_104 = tpu.memref_slice %arg7[%add3A_102, %dma_wait3A_103] : memref<40x128xi32, #tpu.memory_space<vmem>> -> memref<1x128xi32, #tpu.memory_space<vmem>>
      %dma_wait3A_105 = tpu.memref_squeeze %dma_wait3A_104 : memref<1x128xi32, #tpu.memory_space<vmem>> -> memref<128xi32, #tpu.memory_space<vmem>>
      %dma_wait3A_106 = arith.constant 0 : i32
      %dma_wait3A_107 = arith.constant 0 : i32
      %dma_wait3A_108 = tpu.memref_slice %arg4[%dma_wait3A_106, %dma_wait3A_107] : memref<10240x128xf32, #tpu.memory_space<hbm>> -> memref<10240x128xf32, #tpu.memory_space<hbm>>
      tpu.wait_indirect_dma semaphore(%arg12 : memref<!tpu.dma_semaphore, #tpu.memory_space<semaphore_mem>>) src(%dma_wait3A_108 : memref<10240x128xf32, #tpu.memory_space<hbm>>) dst(%arg10 : memref<128x128xf32, #tpu.memory_space<vmem>>)
      "tpu.region"() ({
        %run_scoped3A = tpu.sem_alloc : memref<!tpu.dma_semaphore, #tpu.memory_space<semaphore_mem>>
        %dma_start3A_116 = arith.constant 0 : i32
        %dma_start3A_117 = tpu.memref_slice %arg8[%add3A_102, %dma_start3A_116] : memref<40x128xi32, #tpu.memory_space<vmem>> -> memref<1x128xi32, #tpu.memory_space<vmem>>
        %dma_start3A_118 = tpu.memref_squeeze %dma_start3A_117 : memref<1x128xi32, #tpu.memory_space<vmem>> -> memref<128xi32, #tpu.memory_space<vmem>>
        %dma_start3A_119 = arith.constant 0 : i32
        %dma_start3A_120 = arith.constant 0 : i32
        %dma_start3A_121 = tpu.memref_slice %arg13[%dma_start3A_119, %dma_start3A_120] : memref<10240x128xf32, #tpu.memory_space<vmem_shared>> -> memref<10240x128xf32, #tpu.memory_space<vmem_shared>>
        tpu.enqueue_indirect_dma source(%arg10 : memref<128x128xf32, #tpu.memory_space<vmem>>) target(%dma_start3A_121 : memref<10240x128xf32, #tpu.memory_space<vmem_shared>>) offsets(%dma_start3A_118 : memref<128xi32, #tpu.memory_space<vmem>>) semaphore(%run_scoped3A : memref<!tpu.dma_semaphore, #tpu.memory_space<semaphore_mem>>) {add = true}
        %dma_wait3A_122 = arith.constant 0 : i32
        %dma_wait3A_123 = tpu.memref_slice %arg8[%add3A_102, %dma_wait3A_122] : memref<40x128xi32, #tpu.memory_space<vmem>> -> memref<1x128xi32, #tpu.memory_space<vmem>>
        %dma_wait3A_124 = tpu.memref_squeeze %dma_wait3A_123 : memref<1x128xi32, #tpu.memory_space<vmem>> -> memref<128xi32, #tpu.memory_space<vmem>>
        %dma_wait3A_125 = arith.constant 0 : i32
        %dma_wait3A_126 = arith.constant 0 : i32
        %dma_wait3A_127 = tpu.memref_slice %arg13[%dma_wait3A_125, %dma_wait3A_126] : memref<10240x128xf32, #tpu.memory_space<vmem_shared>> -> memref<10240x128xf32, #tpu.memory_space<vmem_shared>>
        tpu.wait_indirect_dma semaphore(%run_scoped3A : memref<!tpu.dma_semaphore, #tpu.memory_space<semaphore_mem>>) src(%arg10 : memref<128x128xf32, #tpu.memory_space<vmem>>) dst(%dma_wait3A_127 : memref<10240x128xf32, #tpu.memory_space<vmem_shared>>)
        tpu.yield
      }) : () -> ()
      %add3A_109 = arith.constant 2 : i32
      %add3A_110 = arith.addi %add3A_102, %add3A_109 : i32
      %lt3A_111 = arith.constant 40 : i32
      %lt3A_112 = arith.cmpi slt, %add3A_110, %lt3A_111 : i32
      %convert_element_type3A_113 = arith.extui %lt3A_112 : i1 to i32
      %cond3A_114 = arith.constant 0 : i32
      %cond3A_115 = arith.cmpi ne, %convert_element_type3A_113, %cond3A_114 : i32
      scf.if %cond3A_115 {
        %add3A_116 = arith.constant 2 : i32
        %add3A_117 = arith.addi %add3A_102, %add3A_116 : i32
        %dma_start3A_118 = arith.constant 0 : i32
        %dma_start3A_119 = tpu.memref_slice %arg7[%add3A_117, %dma_start3A_118] : memref<40x128xi32, #tpu.memory_space<vmem>> -> memref<1x128xi32, #tpu.memory_space<vmem>>
        %dma_start3A_120 = tpu.memref_squeeze %dma_start3A_119 : memref<1x128xi32, #tpu.memory_space<vmem>> -> memref<128xi32, #tpu.memory_space<vmem>>
        %dma_start3A_121 = arith.constant 0 : i32
        %dma_start3A_122 = arith.constant 0 : i32
        %dma_start3A_123 = tpu.memref_slice %arg4[%dma_start3A_121, %dma_start3A_122] : memref<10240x128xf32, #tpu.memory_space<hbm>> -> memref<10240x128xf32, #tpu.memory_space<hbm>>
        tpu.enqueue_indirect_dma source(%dma_start3A_123 : memref<10240x128xf32, #tpu.memory_space<hbm>>) target(%arg10 : memref<128x128xf32, #tpu.memory_space<vmem>>) offsets(%dma_start3A_120 : memref<128xi32, #tpu.memory_space<vmem>>) semaphore(%arg12 : memref<!tpu.dma_semaphore, #tpu.memory_space<semaphore_mem>>)
      } else {
      }
    }
    %scan3A_28 = arith.constant 20 : i32
    %add3A_29 = arith.constant 40 : i32
    %add3A_30 = arith.addi %mul3A_2, %add3A_29 : i32
    "tpu.region"() ({
      %run_scoped3A = tpu.sem_alloc : memref<!tpu.dma_semaphore, #tpu.memory_space<semaphore_mem>>
      %dma_start3A_89 = arith.constant 0 : i32
      %dma_start3A_90 = tpu.memref_slice %arg2[%add3A_30, %dma_start3A_89] : memref<2560x128xi32, #tpu.memory_space<hbm>> -> memref<40x128xi32, #tpu.memory_space<hbm>>
      %dma_start3A_91 = arith.constant 0 : i32
      %dma_start3A_92 = tpu.memref_slice %arg2[%add3A_30, %dma_start3A_91] : memref<2560x128xi32, #tpu.memory_space<hbm>> -> memref<40x128xi32, #tpu.memory_space<hbm>>
      tpu.enqueue_dma source(%dma_start3A_92 : memref<40x128xi32, #tpu.memory_space<hbm>>) target(%arg7 : memref<40x128xi32, #tpu.memory_space<vmem>>) target_semaphore(%run_scoped3A : memref<!tpu.dma_semaphore, #tpu.memory_space<semaphore_mem>>)
      %dma_wait3A = arith.constant 0 : i32
      %dma_wait3A_93 = tpu.memref_slice %arg2[%add3A_30, %dma_wait3A] : memref<2560x128xi32, #tpu.memory_space<hbm>> -> memref<40x128xi32, #tpu.memory_space<hbm>>
      %dma_wait3A_94 = arith.constant 0 : i32
      %dma_wait3A_95 = tpu.memref_slice %arg2[%add3A_30, %dma_wait3A_94] : memref<2560x128xi32, #tpu.memory_space<hbm>> -> memref<40x128xi32, #tpu.memory_space<hbm>>
      tpu.wait_dma2 semaphore(%run_scoped3A : memref<!tpu.dma_semaphore, #tpu.memory_space<semaphore_mem>>) src(%dma_wait3A_95 : memref<40x128xi32, #tpu.memory_space<hbm>>) dst(%arg7 : memref<40x128xi32, #tpu.memory_space<vmem>>)
      tpu.yield
    }) : () -> ()
    %add3A_31 = arith.constant 40 : i32
    %add3A_32 = arith.addi %mul3A_2, %add3A_31 : i32
    "tpu.region"() ({
      %run_scoped3A = tpu.sem_alloc : memref<!tpu.dma_semaphore, #tpu.memory_space<semaphore_mem>>
      %dma_start3A_89 = arith.constant 0 : i32
      %dma_start3A_90 = tpu.memref_slice %arg3[%add3A_32, %dma_start3A_89] : memref<2560x128xi32, #tpu.memory_space<hbm>> -> memref<40x128xi32, #tpu.memory_space<hbm>>
      %dma_start3A_91 = arith.constant 0 : i32
      %dma_start3A_92 = tpu.memref_slice %arg3[%add3A_32, %dma_start3A_91] : memref<2560x128xi32, #tpu.memory_space<hbm>> -> memref<40x128xi32, #tpu.memory_space<hbm>>
      tpu.enqueue_dma source(%dma_start3A_92 : memref<40x128xi32, #tpu.memory_space<hbm>>) target(%arg8 : memref<40x128xi32, #tpu.memory_space<vmem>>) target_semaphore(%run_scoped3A : memref<!tpu.dma_semaphore, #tpu.memory_space<semaphore_mem>>)
      %dma_wait3A = arith.constant 0 : i32
      %dma_wait3A_93 = tpu.memref_slice %arg3[%add3A_32, %dma_wait3A] : memref<2560x128xi32, #tpu.memory_space<hbm>> -> memref<40x128xi32, #tpu.memory_space<hbm>>
      %dma_wait3A_94 = arith.constant 0 : i32
      %dma_wait3A_95 = tpu.memref_slice %arg3[%add3A_32, %dma_wait3A_94] : memref<2560x128xi32, #tpu.memory_space<hbm>> -> memref<40x128xi32, #tpu.memory_space<hbm>>
      tpu.wait_dma2 semaphore(%run_scoped3A : memref<!tpu.dma_semaphore, #tpu.memory_space<semaphore_mem>>) src(%dma_wait3A_95 : memref<40x128xi32, #tpu.memory_space<hbm>>) dst(%arg8 : memref<40x128xi32, #tpu.memory_space<vmem>>)
      tpu.yield
    }) : () -> ()
    %dma_start3A_33 = arith.constant 0 : i32
    %dma_start3A_34 = arith.constant 0 : i32
    %dma_start3A_35 = tpu.memref_slice %arg7[%dma_start3A_33, %dma_start3A_34] : memref<40x128xi32, #tpu.memory_space<vmem>> -> memref<1x128xi32, #tpu.memory_space<vmem>>
    %dma_start3A_36 = tpu.memref_squeeze %dma_start3A_35 : memref<1x128xi32, #tpu.memory_space<vmem>> -> memref<128xi32, #tpu.memory_space<vmem>>
    %dma_start3A_37 = arith.constant 0 : i32
    %dma_start3A_38 = arith.constant 0 : i32
    %dma_start3A_39 = tpu.memref_slice %arg4[%dma_start3A_37, %dma_start3A_38] : memref<10240x128xf32, #tpu.memory_space<hbm>> -> memref<10240x128xf32, #tpu.memory_space<hbm>>
    tpu.enqueue_indirect_dma source(%dma_start3A_39 : memref<10240x128xf32, #tpu.memory_space<hbm>>) target(%arg9 : memref<128x128xf32, #tpu.memory_space<vmem>>) offsets(%dma_start3A_36 : memref<128xi32, #tpu.memory_space<vmem>>) semaphore(%arg11 : memref<!tpu.dma_semaphore, #tpu.memory_space<semaphore_mem>>)
    %dma_start3A_40 = arith.constant 1 : i32
    %dma_start3A_41 = arith.constant 0 : i32
    %dma_start3A_42 = tpu.memref_slice %arg7[%dma_start3A_40, %dma_start3A_41] : memref<40x128xi32, #tpu.memory_space<vmem>> -> memref<1x128xi32, #tpu.memory_space<vmem>>
    %dma_start3A_43 = tpu.memref_squeeze %dma_start3A_42 : memref<1x128xi32, #tpu.memory_space<vmem>> -> memref<128xi32, #tpu.memory_space<vmem>>
    %dma_start3A_44 = arith.constant 0 : i32
    %dma_start3A_45 = arith.constant 0 : i32
    %dma_start3A_46 = tpu.memref_slice %arg4[%dma_start3A_44, %dma_start3A_45] : memref<10240x128xf32, #tpu.memory_space<hbm>> -> memref<10240x128xf32, #tpu.memory_space<hbm>>
    tpu.enqueue_indirect_dma source(%dma_start3A_46 : memref<10240x128xf32, #tpu.memory_space<hbm>>) target(%arg10 : memref<128x128xf32, #tpu.memory_space<vmem>>) offsets(%dma_start3A_43 : memref<128xi32, #tpu.memory_space<vmem>>) semaphore(%arg12 : memref<!tpu.dma_semaphore, #tpu.memory_space<semaphore_mem>>)
    %scan3A_47 = arith.constant 0 : i32
    %scan3A_48 = arith.constant 0 : i32
    %scan3A_49 = arith.constant 20 : i32
    %scan3A_50 = arith.addi %scan3A_48, %scan3A_49 : i32
    %scan3A_51 = arith.constant 1 : i32
    scf.for %scan3A_89 = %scan3A_48 to %scan3A_50 step %scan3A_51  : i32 {
      %mul3A_90 = arith.constant 2 : i32
      %mul3A_91 = arith.muli %mul3A_90, %scan3A_89 : i32
      %dma_wait3A = arith.constant 0 : i32
      %dma_wait3A_92 = tpu.memref_slice %arg7[%mul3A_91, %dma_wait3A] : memref<40x128xi32, #tpu.memory_space<vmem>> -> memref<1x128xi32, #tpu.memory_space<vmem>>
      %dma_wait3A_93 = tpu.memref_squeeze %dma_wait3A_92 : memref<1x128xi32, #tpu.memory_space<vmem>> -> memref<128xi32, #tpu.memory_space<vmem>>
      %dma_wait3A_94 = arith.constant 0 : i32
      %dma_wait3A_95 = arith.constant 0 : i32
      %dma_wait3A_96 = tpu.memref_slice %arg4[%dma_wait3A_94, %dma_wait3A_95] : memref<10240x128xf32, #tpu.memory_space<hbm>> -> memref<10240x128xf32, #tpu.memory_space<hbm>>
      tpu.wait_indirect_dma semaphore(%arg11 : memref<!tpu.dma_semaphore, #tpu.memory_space<semaphore_mem>>) src(%dma_wait3A_96 : memref<10240x128xf32, #tpu.memory_space<hbm>>) dst(%arg9 : memref<128x128xf32, #tpu.memory_space<vmem>>)
      "tpu.region"() ({
        %run_scoped3A = tpu.sem_alloc : memref<!tpu.dma_semaphore, #tpu.memory_space<semaphore_mem>>
        %dma_start3A_116 = arith.constant 0 : i32
        %dma_start3A_117 = tpu.memref_slice %arg8[%mul3A_91, %dma_start3A_116] : memref<40x128xi32, #tpu.memory_space<vmem>> -> memref<1x128xi32, #tpu.memory_space<vmem>>
        %dma_start3A_118 = tpu.memref_squeeze %dma_start3A_117 : memref<1x128xi32, #tpu.memory_space<vmem>> -> memref<128xi32, #tpu.memory_space<vmem>>
        %dma_start3A_119 = arith.constant 0 : i32
        %dma_start3A_120 = arith.constant 0 : i32
        %dma_start3A_121 = tpu.memref_slice %arg13[%dma_start3A_119, %dma_start3A_120] : memref<10240x128xf32, #tpu.memory_space<vmem_shared>> -> memref<10240x128xf32, #tpu.memory_space<vmem_shared>>
        tpu.enqueue_indirect_dma source(%arg9 : memref<128x128xf32, #tpu.memory_space<vmem>>) target(%dma_start3A_121 : memref<10240x128xf32, #tpu.memory_space<vmem_shared>>) offsets(%dma_start3A_118 : memref<128xi32, #tpu.memory_space<vmem>>) semaphore(%run_scoped3A : memref<!tpu.dma_semaphore, #tpu.memory_space<semaphore_mem>>) {add = true}
        %dma_wait3A_122 = arith.constant 0 : i32
        %dma_wait3A_123 = tpu.memref_slice %arg8[%mul3A_91, %dma_wait3A_122] : memref<40x128xi32, #tpu.memory_space<vmem>> -> memref<1x128xi32, #tpu.memory_space<vmem>>
        %dma_wait3A_124 = tpu.memref_squeeze %dma_wait3A_123 : memref<1x128xi32, #tpu.memory_space<vmem>> -> memref<128xi32, #tpu.memory_space<vmem>>
        %dma_wait3A_125 = arith.constant 0 : i32
        %dma_wait3A_126 = arith.constant 0 : i32
        %dma_wait3A_127 = tpu.memref_slice %arg13[%dma_wait3A_125, %dma_wait3A_126] : memref<10240x128xf32, #tpu.memory_space<vmem_shared>> -> memref<10240x128xf32, #tpu.memory_space<vmem_shared>>
        tpu.wait_indirect_dma semaphore(%run_scoped3A : memref<!tpu.dma_semaphore, #tpu.memory_space<semaphore_mem>>) src(%arg9 : memref<128x128xf32, #tpu.memory_space<vmem>>) dst(%dma_wait3A_127 : memref<10240x128xf32, #tpu.memory_space<vmem_shared>>)
        tpu.yield
      }) : () -> ()
      %add3A_97 = arith.constant 2 : i32
      %add3A_98 = arith.addi %mul3A_91, %add3A_97 : i32
      %lt3A = arith.constant 40 : i32
      %lt3A_99 = arith.cmpi slt, %add3A_98, %lt3A : i32
      %convert_element_type3A = arith.extui %lt3A_99 : i1 to i32
      %cond3A = arith.constant 0 : i32
      %cond3A_100 = arith.cmpi ne, %convert_element_type3A, %cond3A : i32
      scf.if %cond3A_100 {
        %add3A_116 = arith.constant 2 : i32
        %add3A_117 = arith.addi %mul3A_91, %add3A_116 : i32
        %dma_start3A_118 = arith.constant 0 : i32
        %dma_start3A_119 = tpu.memref_slice %arg7[%add3A_117, %dma_start3A_118] : memref<40x128xi32, #tpu.memory_space<vmem>> -> memref<1x128xi32, #tpu.memory_space<vmem>>
        %dma_start3A_120 = tpu.memref_squeeze %dma_start3A_119 : memref<1x128xi32, #tpu.memory_space<vmem>> -> memref<128xi32, #tpu.memory_space<vmem>>
        %dma_start3A_121 = arith.constant 0 : i32
        %dma_start3A_122 = arith.constant 0 : i32
        %dma_start3A_123 = tpu.memref_slice %arg4[%dma_start3A_121, %dma_start3A_122] : memref<10240x128xf32, #tpu.memory_space<hbm>> -> memref<10240x128xf32, #tpu.memory_space<hbm>>
        tpu.enqueue_indirect_dma source(%dma_start3A_123 : memref<10240x128xf32, #tpu.memory_space<hbm>>) target(%arg9 : memref<128x128xf32, #tpu.memory_space<vmem>>) offsets(%dma_start3A_120 : memref<128xi32, #tpu.memory_space<vmem>>) semaphore(%arg11 : memref<!tpu.dma_semaphore, #tpu.memory_space<semaphore_mem>>)
      } else {
      }
      %add3A_101 = arith.constant 1 : i32
      %add3A_102 = arith.addi %mul3A_91, %add3A_101 : i32
      %dma_wait3A_103 = arith.constant 0 : i32
      %dma_wait3A_104 = tpu.memref_slice %arg7[%add3A_102, %dma_wait3A_103] : memref<40x128xi32, #tpu.memory_space<vmem>> -> memref<1x128xi32, #tpu.memory_space<vmem>>
      %dma_wait3A_105 = tpu.memref_squeeze %dma_wait3A_104 : memref<1x128xi32, #tpu.memory_space<vmem>> -> memref<128xi32, #tpu.memory_space<vmem>>
      %dma_wait3A_106 = arith.constant 0 : i32
      %dma_wait3A_107 = arith.constant 0 : i32
      %dma_wait3A_108 = tpu.memref_slice %arg4[%dma_wait3A_106, %dma_wait3A_107] : memref<10240x128xf32, #tpu.memory_space<hbm>> -> memref<10240x128xf32, #tpu.memory_space<hbm>>
      tpu.wait_indirect_dma semaphore(%arg12 : memref<!tpu.dma_semaphore, #tpu.memory_space<semaphore_mem>>) src(%dma_wait3A_108 : memref<10240x128xf32, #tpu.memory_space<hbm>>) dst(%arg10 : memref<128x128xf32, #tpu.memory_space<vmem>>)
      "tpu.region"() ({
        %run_scoped3A = tpu.sem_alloc : memref<!tpu.dma_semaphore, #tpu.memory_space<semaphore_mem>>
        %dma_start3A_116 = arith.constant 0 : i32
        %dma_start3A_117 = tpu.memref_slice %arg8[%add3A_102, %dma_start3A_116] : memref<40x128xi32, #tpu.memory_space<vmem>> -> memref<1x128xi32, #tpu.memory_space<vmem>>
        %dma_start3A_118 = tpu.memref_squeeze %dma_start3A_117 : memref<1x128xi32, #tpu.memory_space<vmem>> -> memref<128xi32, #tpu.memory_space<vmem>>
        %dma_start3A_119 = arith.constant 0 : i32
        %dma_start3A_120 = arith.constant 0 : i32
        %dma_start3A_121 = tpu.memref_slice %arg13[%dma_start3A_119, %dma_start3A_120] : memref<10240x128xf32, #tpu.memory_space<vmem_shared>> -> memref<10240x128xf32, #tpu.memory_space<vmem_shared>>
        tpu.enqueue_indirect_dma source(%arg10 : memref<128x128xf32, #tpu.memory_space<vmem>>) target(%dma_start3A_121 : memref<10240x128xf32, #tpu.memory_space<vmem_shared>>) offsets(%dma_start3A_118 : memref<128xi32, #tpu.memory_space<vmem>>) semaphore(%run_scoped3A : memref<!tpu.dma_semaphore, #tpu.memory_space<semaphore_mem>>) {add = true}
        %dma_wait3A_122 = arith.constant 0 : i32
        %dma_wait3A_123 = tpu.memref_slice %arg8[%add3A_102, %dma_wait3A_122] : memref<40x128xi32, #tpu.memory_space<vmem>> -> memref<1x128xi32, #tpu.memory_space<vmem>>
        %dma_wait3A_124 = tpu.memref_squeeze %dma_wait3A_123 : memref<1x128xi32, #tpu.memory_space<vmem>> -> memref<128xi32, #tpu.memory_space<vmem>>
        %dma_wait3A_125 = arith.constant 0 : i32
        %dma_wait3A_126 = arith.constant 0 : i32
        %dma_wait3A_127 = tpu.memref_slice %arg13[%dma_wait3A_125, %dma_wait3A_126] : memref<10240x128xf32, #tpu.memory_space<vmem_shared>> -> memref<10240x128xf32, #tpu.memory_space<vmem_shared>>
        tpu.wait_indirect_dma semaphore(%run_scoped3A : memref<!tpu.dma_semaphore, #tpu.memory_space<semaphore_mem>>) src(%arg10 : memref<128x128xf32, #tpu.memory_space<vmem>>) dst(%dma_wait3A_127 : memref<10240x128xf32, #tpu.memory_space<vmem_shared>>)
        tpu.yield
      }) : () -> ()
      %add3A_109 = arith.constant 2 : i32
      %add3A_110 = arith.addi %add3A_102, %add3A_109 : i32
      %lt3A_111 = arith.constant 40 : i32
      %lt3A_112 = arith.cmpi slt, %add3A_110, %lt3A_111 : i32
      %convert_element_type3A_113 = arith.extui %lt3A_112 : i1 to i32
      %cond3A_114 = arith.constant 0 : i32
      %cond3A_115 = arith.cmpi ne, %convert_element_type3A_113, %cond3A_114 : i32
      scf.if %cond3A_115 {
        %add3A_116 = arith.constant 2 : i32
        %add3A_117 = arith.addi %add3A_102, %add3A_116 : i32
        %dma_start3A_118 = arith.constant 0 : i32
        %dma_start3A_119 = tpu.memref_slice %arg7[%add3A_117, %dma_start3A_118] : memref<40x128xi32, #tpu.memory_space<vmem>> -> memref<1x128xi32, #tpu.memory_space<vmem>>
        %dma_start3A_120 = tpu.memref_squeeze %dma_start3A_119 : memref<1x128xi32, #tpu.memory_space<vmem>> -> memref<128xi32, #tpu.memory_space<vmem>>
        %dma_start3A_121 = arith.constant 0 : i32
        %dma_start3A_122 = arith.constant 0 : i32
        %dma_start3A_123 = tpu.memref_slice %arg4[%dma_start3A_121, %dma_start3A_122] : memref<10240x128xf32, #tpu.memory_space<hbm>> -> memref<10240x128xf32, #tpu.memory_space<hbm>>
        tpu.enqueue_indirect_dma source(%dma_start3A_123 : memref<10240x128xf32, #tpu.memory_space<hbm>>) target(%arg10 : memref<128x128xf32, #tpu.memory_space<vmem>>) offsets(%dma_start3A_120 : memref<128xi32, #tpu.memory_space<vmem>>) semaphore(%arg12 : memref<!tpu.dma_semaphore, #tpu.memory_space<semaphore_mem>>)
      } else {
      }
    }
    %scan3A_52 = arith.constant 20 : i32
    %barrier3A_53 = arith.constant 0 : index
    tpu.barrier barrier_id(%barrier3A_53)
    %mul3A_54 = arith.constant 640 : i32
    %mul3A_55 = arith.muli %arg1, %mul3A_54 : i32
    %add3A_56 = arith.constant 0 : i32
    %add3A_57 = arith.addi %mul3A_55, %add3A_56 : i32
    "tpu.region"() ({
      %run_scoped3A = tpu.sem_alloc : memref<!tpu.dma_semaphore, #tpu.memory_space<semaphore_mem>>
      %dma_start3A_89 = arith.constant 0 : i32
      %dma_start3A_90 = tpu.memref_slice %arg13[%add3A_57, %dma_start3A_89] : memref<10240x128xf32, #tpu.memory_space<vmem_shared>> -> memref<128x128xf32, #tpu.memory_space<vmem_shared>>
      %dma_start3A_91 = arith.constant 0 : i32
      %dma_start3A_92 = tpu.memref_slice %arg13[%add3A_57, %dma_start3A_91] : memref<10240x128xf32, #tpu.memory_space<vmem_shared>> -> memref<128x128xf32, #tpu.memory_space<vmem_shared>>
      tpu.enqueue_dma source(%dma_start3A_92 : memref<128x128xf32, #tpu.memory_space<vmem_shared>>) target(%arg9 : memref<128x128xf32, #tpu.memory_space<vmem>>) target_semaphore(%run_scoped3A : memref<!tpu.dma_semaphore, #tpu.memory_space<semaphore_mem>>)
      %dma_wait3A = arith.constant 0 : i32
      %dma_wait3A_93 = tpu.memref_slice %arg13[%add3A_57, %dma_wait3A] : memref<10240x128xf32, #tpu.memory_space<vmem_shared>> -> memref<128x128xf32, #tpu.memory_space<vmem_shared>>
      %dma_wait3A_94 = arith.constant 0 : i32
      %dma_wait3A_95 = tpu.memref_slice %arg13[%add3A_57, %dma_wait3A_94] : memref<10240x128xf32, #tpu.memory_space<vmem_shared>> -> memref<128x128xf32, #tpu.memory_space<vmem_shared>>
      tpu.wait_dma2 semaphore(%run_scoped3A : memref<!tpu.dma_semaphore, #tpu.memory_space<semaphore_mem>>) src(%dma_wait3A_95 : memref<128x128xf32, #tpu.memory_space<vmem_shared>>) dst(%arg9 : memref<128x128xf32, #tpu.memory_space<vmem>>)
      tpu.yield
    }) : () -> ()
    %mul3A_58 = arith.constant 10240 : i32
    %mul3A_59 = arith.muli %arg0, %mul3A_58 : i32
    %add3A_60 = arith.addi %mul3A_59, %add3A_57 : i32
    "tpu.region"() ({
      %run_scoped3A = tpu.sem_alloc : memref<!tpu.dma_semaphore, #tpu.memory_space<semaphore_mem>>
      %dma_start3A_89 = arith.constant 0 : i32
      %dma_start3A_90 = tpu.memref_slice %arg6[%add3A_60, %dma_start3A_89] : memref<20480x128xf32, #tpu.memory_space<hbm>> -> memref<128x128xf32, #tpu.memory_space<hbm>>
      %dma_start3A_91 = arith.constant 0 : i32
      %dma_start3A_92 = tpu.memref_slice %arg6[%add3A_60, %dma_start3A_91] : memref<20480x128xf32, #tpu.memory_space<hbm>> -> memref<128x128xf32, #tpu.memory_space<hbm>>
      tpu.enqueue_dma source(%arg9 : memref<128x128xf32, #tpu.memory_space<vmem>>) target(%dma_start3A_92 : memref<128x128xf32, #tpu.memory_space<hbm>>) target_semaphore(%run_scoped3A : memref<!tpu.dma_semaphore, #tpu.memory_space<semaphore_mem>>)
      %dma_wait3A = arith.constant 0 : i32
      %dma_wait3A_93 = tpu.memref_slice %arg6[%add3A_60, %dma_wait3A] : memref<20480x128xf32, #tpu.memory_space<hbm>> -> memref<128x128xf32, #tpu.memory_space<hbm>>
      %dma_wait3A_94 = arith.constant 0 : i32
      %dma_wait3A_95 = tpu.memref_slice %arg6[%add3A_60, %dma_wait3A_94] : memref<20480x128xf32, #tpu.memory_space<hbm>> -> memref<128x128xf32, #tpu.memory_space<hbm>>
      tpu.wait_dma2 semaphore(%run_scoped3A : memref<!tpu.dma_semaphore, #tpu.memory_space<semaphore_mem>>) src(%arg9 : memref<128x128xf32, #tpu.memory_space<vmem>>) dst(%dma_wait3A_95 : memref<128x128xf32, #tpu.memory_space<hbm>>)
      tpu.yield
    }) : () -> ()
    %mul3A_61 = arith.constant 640 : i32
    %mul3A_62 = arith.muli %arg1, %mul3A_61 : i32
    %add3A_63 = arith.constant 128 : i32
    %add3A_64 = arith.addi %mul3A_62, %add3A_63 : i32
    "tpu.region"() ({
      %run_scoped3A = tpu.sem_alloc : memref<!tpu.dma_semaphore, #tpu.memory_space<semaphore_mem>>
      %dma_start3A_89 = arith.constant 0 : i32
      %dma_start3A_90 = tpu.memref_slice %arg13[%add3A_64, %dma_start3A_89] : memref<10240x128xf32, #tpu.memory_space<vmem_shared>> -> memref<128x128xf32, #tpu.memory_space<vmem_shared>>
      %dma_start3A_91 = arith.constant 0 : i32
      %dma_start3A_92 = tpu.memref_slice %arg13[%add3A_64, %dma_start3A_91] : memref<10240x128xf32, #tpu.memory_space<vmem_shared>> -> memref<128x128xf32, #tpu.memory_space<vmem_shared>>
      tpu.enqueue_dma source(%dma_start3A_92 : memref<128x128xf32, #tpu.memory_space<vmem_shared>>) target(%arg9 : memref<128x128xf32, #tpu.memory_space<vmem>>) target_semaphore(%run_scoped3A : memref<!tpu.dma_semaphore, #tpu.memory_space<semaphore_mem>>)
      %dma_wait3A = arith.constant 0 : i32
      %dma_wait3A_93 = tpu.memref_slice %arg13[%add3A_64, %dma_wait3A] : memref<10240x128xf32, #tpu.memory_space<vmem_shared>> -> memref<128x128xf32, #tpu.memory_space<vmem_shared>>
      %dma_wait3A_94 = arith.constant 0 : i32
      %dma_wait3A_95 = tpu.memref_slice %arg13[%add3A_64, %dma_wait3A_94] : memref<10240x128xf32, #tpu.memory_space<vmem_shared>> -> memref<128x128xf32, #tpu.memory_space<vmem_shared>>
      tpu.wait_dma2 semaphore(%run_scoped3A : memref<!tpu.dma_semaphore, #tpu.memory_space<semaphore_mem>>) src(%dma_wait3A_95 : memref<128x128xf32, #tpu.memory_space<vmem_shared>>) dst(%arg9 : memref<128x128xf32, #tpu.memory_space<vmem>>)
      tpu.yield
    }) : () -> ()
    %mul3A_65 = arith.constant 10240 : i32
    %mul3A_66 = arith.muli %arg0, %mul3A_65 : i32
    %add3A_67 = arith.addi %mul3A_66, %add3A_64 : i32
    "tpu.region"() ({
      %run_scoped3A = tpu.sem_alloc : memref<!tpu.dma_semaphore, #tpu.memory_space<semaphore_mem>>
      %dma_start3A_89 = arith.constant 0 : i32
      %dma_start3A_90 = tpu.memref_slice %arg6[%add3A_67, %dma_start3A_89] : memref<20480x128xf32, #tpu.memory_space<hbm>> -> memref<128x128xf32, #tpu.memory_space<hbm>>
      %dma_start3A_91 = arith.constant 0 : i32
      %dma_start3A_92 = tpu.memref_slice %arg6[%add3A_67, %dma_start3A_91] : memref<20480x128xf32, #tpu.memory_space<hbm>> -> memref<128x128xf32, #tpu.memory_space<hbm>>
      tpu.enqueue_dma source(%arg9 : memref<128x128xf32, #tpu.memory_space<vmem>>) target(%dma_start3A_92 : memref<128x128xf32, #tpu.memory_space<hbm>>) target_semaphore(%run_scoped3A : memref<!tpu.dma_semaphore, #tpu.memory_space<semaphore_mem>>)
      %dma_wait3A = arith.constant 0 : i32
      %dma_wait3A_93 = tpu.memref_slice %arg6[%add3A_67, %dma_wait3A] : memref<20480x128xf32, #tpu.memory_space<hbm>> -> memref<128x128xf32, #tpu.memory_space<hbm>>
      %dma_wait3A_94 = arith.constant 0 : i32
      %dma_wait3A_95 = tpu.memref_slice %arg6[%add3A_67, %dma_wait3A_94] : memref<20480x128xf32, #tpu.memory_space<hbm>> -> memref<128x128xf32, #tpu.memory_space<hbm>>
      tpu.wait_dma2 semaphore(%run_scoped3A : memref<!tpu.dma_semaphore, #tpu.memory_space<semaphore_mem>>) src(%arg9 : memref<128x128xf32, #tpu.memory_space<vmem>>) dst(%dma_wait3A_95 : memref<128x128xf32, #tpu.memory_space<hbm>>)
      tpu.yield
    }) : () -> ()
    %mul3A_68 = arith.constant 640 : i32
    %mul3A_69 = arith.muli %arg1, %mul3A_68 : i32
    %add3A_70 = arith.constant 256 : i32
    %add3A_71 = arith.addi %mul3A_69, %add3A_70 : i32
    "tpu.region"() ({
      %run_scoped3A = tpu.sem_alloc : memref<!tpu.dma_semaphore, #tpu.memory_space<semaphore_mem>>
      %dma_start3A_89 = arith.constant 0 : i32
      %dma_start3A_90 = tpu.memref_slice %arg13[%add3A_71, %dma_start3A_89] : memref<10240x128xf32, #tpu.memory_space<vmem_shared>> -> memref<128x128xf32, #tpu.memory_space<vmem_shared>>
      %dma_start3A_91 = arith.constant 0 : i32
      %dma_start3A_92 = tpu.memref_slice %arg13[%add3A_71, %dma_start3A_91] : memref<10240x128xf32, #tpu.memory_space<vmem_shared>> -> memref<128x128xf32, #tpu.memory_space<vmem_shared>>
      tpu.enqueue_dma source(%dma_start3A_92 : memref<128x128xf32, #tpu.memory_space<vmem_shared>>) target(%arg9 : memref<128x128xf32, #tpu.memory_space<vmem>>) target_semaphore(%run_scoped3A : memref<!tpu.dma_semaphore, #tpu.memory_space<semaphore_mem>>)
      %dma_wait3A = arith.constant 0 : i32
      %dma_wait3A_93 = tpu.memref_slice %arg13[%add3A_71, %dma_wait3A] : memref<10240x128xf32, #tpu.memory_space<vmem_shared>> -> memref<128x128xf32, #tpu.memory_space<vmem_shared>>
      %dma_wait3A_94 = arith.constant 0 : i32
      %dma_wait3A_95 = tpu.memref_slice %arg13[%add3A_71, %dma_wait3A_94] : memref<10240x128xf32, #tpu.memory_space<vmem_shared>> -> memref<128x128xf32, #tpu.memory_space<vmem_shared>>
      tpu.wait_dma2 semaphore(%run_scoped3A : memref<!tpu.dma_semaphore, #tpu.memory_space<semaphore_mem>>) src(%dma_wait3A_95 : memref<128x128xf32, #tpu.memory_space<vmem_shared>>) dst(%arg9 : memref<128x128xf32, #tpu.memory_space<vmem>>)
      tpu.yield
    }) : () -> ()
    %mul3A_72 = arith.constant 10240 : i32
    %mul3A_73 = arith.muli %arg0, %mul3A_72 : i32
    %add3A_74 = arith.addi %mul3A_73, %add3A_71 : i32
    "tpu.region"() ({
      %run_scoped3A = tpu.sem_alloc : memref<!tpu.dma_semaphore, #tpu.memory_space<semaphore_mem>>
      %dma_start3A_89 = arith.constant 0 : i32
      %dma_start3A_90 = tpu.memref_slice %arg6[%add3A_74, %dma_start3A_89] : memref<20480x128xf32, #tpu.memory_space<hbm>> -> memref<128x128xf32, #tpu.memory_space<hbm>>
      %dma_start3A_91 = arith.constant 0 : i32
      %dma_start3A_92 = tpu.memref_slice %arg6[%add3A_74, %dma_start3A_91] : memref<20480x128xf32, #tpu.memory_space<hbm>> -> memref<128x128xf32, #tpu.memory_space<hbm>>
      tpu.enqueue_dma source(%arg9 : memref<128x128xf32, #tpu.memory_space<vmem>>) target(%dma_start3A_92 : memref<128x128xf32, #tpu.memory_space<hbm>>) target_semaphore(%run_scoped3A : memref<!tpu.dma_semaphore, #tpu.memory_space<semaphore_mem>>)
      %dma_wait3A = arith.constant 0 : i32
      %dma_wait3A_93 = tpu.memref_slice %arg6[%add3A_74, %dma_wait3A] : memref<20480x128xf32, #tpu.memory_space<hbm>> -> memref<128x128xf32, #tpu.memory_space<hbm>>
      %dma_wait3A_94 = arith.constant 0 : i32
      %dma_wait3A_95 = tpu.memref_slice %arg6[%add3A_74, %dma_wait3A_94] : memref<20480x128xf32, #tpu.memory_space<hbm>> -> memref<128x128xf32, #tpu.memory_space<hbm>>
      tpu.wait_dma2 semaphore(%run_scoped3A : memref<!tpu.dma_semaphore, #tpu.memory_space<semaphore_mem>>) src(%arg9 : memref<128x128xf32, #tpu.memory_space<vmem>>) dst(%dma_wait3A_95 : memref<128x128xf32, #tpu.memory_space<hbm>>)
      tpu.yield
    }) : () -> ()
    %mul3A_75 = arith.constant 640 : i32
    %mul3A_76 = arith.muli %arg1, %mul3A_75 : i32
    %add3A_77 = arith.constant 384 : i32
    %add3A_78 = arith.addi %mul3A_76, %add3A_77 : i32
    "tpu.region"() ({
      %run_scoped3A = tpu.sem_alloc : memref<!tpu.dma_semaphore, #tpu.memory_space<semaphore_mem>>
      %dma_start3A_89 = arith.constant 0 : i32
      %dma_start3A_90 = tpu.memref_slice %arg13[%add3A_78, %dma_start3A_89] : memref<10240x128xf32, #tpu.memory_space<vmem_shared>> -> memref<128x128xf32, #tpu.memory_space<vmem_shared>>
      %dma_start3A_91 = arith.constant 0 : i32
      %dma_start3A_92 = tpu.memref_slice %arg13[%add3A_78, %dma_start3A_91] : memref<10240x128xf32, #tpu.memory_space<vmem_shared>> -> memref<128x128xf32, #tpu.memory_space<vmem_shared>>
      tpu.enqueue_dma source(%dma_start3A_92 : memref<128x128xf32, #tpu.memory_space<vmem_shared>>) target(%arg9 : memref<128x128xf32, #tpu.memory_space<vmem>>) target_semaphore(%run_scoped3A : memref<!tpu.dma_semaphore, #tpu.memory_space<semaphore_mem>>)
      %dma_wait3A = arith.constant 0 : i32
      %dma_wait3A_93 = tpu.memref_slice %arg13[%add3A_78, %dma_wait3A] : memref<10240x128xf32, #tpu.memory_space<vmem_shared>> -> memref<128x128xf32, #tpu.memory_space<vmem_shared>>
      %dma_wait3A_94 = arith.constant 0 : i32
      %dma_wait3A_95 = tpu.memref_slice %arg13[%add3A_78, %dma_wait3A_94] : memref<10240x128xf32, #tpu.memory_space<vmem_shared>> -> memref<128x128xf32, #tpu.memory_space<vmem_shared>>
      tpu.wait_dma2 semaphore(%run_scoped3A : memref<!tpu.dma_semaphore, #tpu.memory_space<semaphore_mem>>) src(%dma_wait3A_95 : memref<128x128xf32, #tpu.memory_space<vmem_shared>>) dst(%arg9 : memref<128x128xf32, #tpu.memory_space<vmem>>)
      tpu.yield
    }) : () -> ()
    %mul3A_79 = arith.constant 10240 : i32
    %mul3A_80 = arith.muli %arg0, %mul3A_79 : i32
    %add3A_81 = arith.addi %mul3A_80, %add3A_78 : i32
    "tpu.region"() ({
      %run_scoped3A = tpu.sem_alloc : memref<!tpu.dma_semaphore, #tpu.memory_space<semaphore_mem>>
      %dma_start3A_89 = arith.constant 0 : i32
      %dma_start3A_90 = tpu.memref_slice %arg6[%add3A_81, %dma_start3A_89] : memref<20480x128xf32, #tpu.memory_space<hbm>> -> memref<128x128xf32, #tpu.memory_space<hbm>>
      %dma_start3A_91 = arith.constant 0 : i32
      %dma_start3A_92 = tpu.memref_slice %arg6[%add3A_81, %dma_start3A_91] : memref<20480x128xf32, #tpu.memory_space<hbm>> -> memref<128x128xf32, #tpu.memory_space<hbm>>
      tpu.enqueue_dma source(%arg9 : memref<128x128xf32, #tpu.memory_space<vmem>>) target(%dma_start3A_92 : memref<128x128xf32, #tpu.memory_space<hbm>>) target_semaphore(%run_scoped3A : memref<!tpu.dma_semaphore, #tpu.memory_space<semaphore_mem>>)
      %dma_wait3A = arith.constant 0 : i32
      %dma_wait3A_93 = tpu.memref_slice %arg6[%add3A_81, %dma_wait3A] : memref<20480x128xf32, #tpu.memory_space<hbm>> -> memref<128x128xf32, #tpu.memory_space<hbm>>
      %dma_wait3A_94 = arith.constant 0 : i32
      %dma_wait3A_95 = tpu.memref_slice %arg6[%add3A_81, %dma_wait3A_94] : memref<20480x128xf32, #tpu.memory_space<hbm>> -> memref<128x128xf32, #tpu.memory_space<hbm>>
      tpu.wait_dma2 semaphore(%run_scoped3A : memref<!tpu.dma_semaphore, #tpu.memory_space<semaphore_mem>>) src(%arg9 : memref<128x128xf32, #tpu.memory_space<vmem>>) dst(%dma_wait3A_95 : memref<128x128xf32, #tpu.memory_space<hbm>>)
      tpu.yield
    }) : () -> ()
    %mul3A_82 = arith.constant 640 : i32
    %mul3A_83 = arith.muli %arg1, %mul3A_82 : i32
    %add3A_84 = arith.constant 512 : i32
    %add3A_85 = arith.addi %mul3A_83, %add3A_84 : i32
    "tpu.region"() ({
      %run_scoped3A = tpu.sem_alloc : memref<!tpu.dma_semaphore, #tpu.memory_space<semaphore_mem>>
      %dma_start3A_89 = arith.constant 0 : i32
      %dma_start3A_90 = tpu.memref_slice %arg13[%add3A_85, %dma_start3A_89] : memref<10240x128xf32, #tpu.memory_space<vmem_shared>> -> memref<128x128xf32, #tpu.memory_space<vmem_shared>>
      %dma_start3A_91 = arith.constant 0 : i32
      %dma_start3A_92 = tpu.memref_slice %arg13[%add3A_85, %dma_start3A_91] : memref<10240x128xf32, #tpu.memory_space<vmem_shared>> -> memref<128x128xf32, #tpu.memory_space<vmem_shared>>
      tpu.enqueue_dma source(%dma_start3A_92 : memref<128x128xf32, #tpu.memory_space<vmem_shared>>) target(%arg9 : memref<128x128xf32, #tpu.memory_space<vmem>>) target_semaphore(%run_scoped3A : memref<!tpu.dma_semaphore, #tpu.memory_space<semaphore_mem>>)
      %dma_wait3A = arith.constant 0 : i32
      %dma_wait3A_93 = tpu.memref_slice %arg13[%add3A_85, %dma_wait3A] : memref<10240x128xf32, #tpu.memory_space<vmem_shared>> -> memref<128x128xf32, #tpu.memory_space<vmem_shared>>
      %dma_wait3A_94 = arith.constant 0 : i32
      %dma_wait3A_95 = tpu.memref_slice %arg13[%add3A_85, %dma_wait3A_94] : memref<10240x128xf32, #tpu.memory_space<vmem_shared>> -> memref<128x128xf32, #tpu.memory_space<vmem_shared>>
      tpu.wait_dma2 semaphore(%run_scoped3A : memref<!tpu.dma_semaphore, #tpu.memory_space<semaphore_mem>>) src(%dma_wait3A_95 : memref<128x128xf32, #tpu.memory_space<vmem_shared>>) dst(%arg9 : memref<128x128xf32, #tpu.memory_space<vmem>>)
      tpu.yield
    }) : () -> ()
    %mul3A_86 = arith.constant 10240 : i32
    %mul3A_87 = arith.muli %arg0, %mul3A_86 : i32
    %add3A_88 = arith.addi %mul3A_87, %add3A_85 : i32
    "tpu.region"() ({
      %run_scoped3A = tpu.sem_alloc : memref<!tpu.dma_semaphore, #tpu.memory_space<semaphore_mem>>
      %dma_start3A_89 = arith.constant 0 : i32
      %dma_start3A_90 = tpu.memref_slice %arg6[%add3A_88, %dma_start3A_89] : memref<20480x128xf32, #tpu.memory_space<hbm>> -> memref<128x128xf32, #tpu.memory_space<hbm>>
      %dma_start3A_91 = arith.constant 0 : i32
      %dma_start3A_92 = tpu.memref_slice %arg6[%add3A_88, %dma_start3A_91] : memref<20480x128xf32, #tpu.memory_space<hbm>> -> memref<128x128xf32, #tpu.memory_space<hbm>>
      tpu.enqueue_dma source(%arg9 : memref<128x128xf32, #tpu.memory_space<vmem>>) target(%dma_start3A_92 : memref<128x128xf32, #tpu.memory_space<hbm>>) target_semaphore(%run_scoped3A : memref<!tpu.dma_semaphore, #tpu.memory_space<semaphore_mem>>)
      %dma_wait3A = arith.constant 0 : i32
      %dma_wait3A_93 = tpu.memref_slice %arg6[%add3A_88, %dma_wait3A] : memref<20480x128xf32, #tpu.memory_space<hbm>> -> memref<128x128xf32, #tpu.memory_space<hbm>>
      %dma_wait3A_94 = arith.constant 0 : i32
      %dma_wait3A_95 = tpu.memref_slice %arg6[%add3A_88, %dma_wait3A_94] : memref<20480x128xf32, #tpu.memory_space<hbm>> -> memref<128x128xf32, #tpu.memory_space<hbm>>
      tpu.wait_dma2 semaphore(%run_scoped3A : memref<!tpu.dma_semaphore, #tpu.memory_space<semaphore_mem>>) src(%arg9 : memref<128x128xf32, #tpu.memory_space<vmem>>) dst(%dma_wait3A_95 : memref<128x128xf32, #tpu.memory_space<hbm>>)
      tpu.yield
    }) : () -> ()
    return
  }
}

#map = affine_map<(d0, d1) -> (0, 0)>
module attributes {stable_mosaic.version = 14 : i64} {
  func.func @body(%arg0: i32, %arg1: i32, %arg2: memref<2560x128xi32, #tpu.memory_space<hbm>>, %arg3: memref<2560x128xi32, #tpu.memory_space<hbm>>, %arg4: memref<10240x128xf32, #tpu.memory_space<hbm>>, %arg5: memref<10240x128xf32, #tpu.memory_space<hbm>>, %arg6: memref<20480x128xf32, #tpu.memory_space<hbm>>, %arg7: memref<40x128xi32, #tpu.memory_space<vmem>>, %arg8: memref<40x128xi32, #tpu.memory_space<vmem>>, %arg9: memref<128x128xf32, #tpu.memory_space<vmem>>, %arg10: memref<128x128xf32, #tpu.memory_space<vmem>>, %arg11: memref<!tpu.dma_semaphore, #tpu.memory_space<semaphore_mem>>, %arg12: memref<!tpu.dma_semaphore, #tpu.memory_space<semaphore_mem>>, %arg13: memref<10240x128xf32, #tpu.memory_space<vmem_shared>>) attributes {dimension_semantics = [#tpu.dimension_semantics<core_parallel>, #tpu.dimension_semantics<subcore_parallel>], iteration_bounds = array<i64: 2, 16>, scalar_prefetch = 0 : i64, scratch_operands = 7 : i64, tpu.core_type = #tpu.core_type<sc_vector_subcore>, window_params = [{transform_indices = #map}, {transform_indices = #map}, {transform_indices = #map}, {transform_indices = #map}, {transform_indices = #map}]} {
    %mul3A = arith.constant 16 : i32
    %mul3A_0 = arith.muli %arg0, %mul3A : i32
    %add3A = arith.addi %mul3A_0, %arg1 : i32
    %mul3A_1 = arith.constant 80 : i32
    %mul3A_2 = arith.muli %add3A, %mul3A_1 : i32
    %mul3A_3 = arith.constant 640 : i32
    %mul3A_4 = arith.muli %arg1, %mul3A_3 : i32
    %mul3A_5 = arith.constant 640 : i32
    %mul3A_6 = arith.muli %arg1, %mul3A_5 : i32
    "tpu.region"() ({
      %run_scoped3A = tpu.sem_alloc : memref<!tpu.dma_semaphore, #tpu.memory_space<semaphore_mem>>
      %dma_start3A_89 = arith.constant 0 : i32
      %dma_start3A_90 = tpu.memref_slice %arg13[%mul3A_6, %dma_start3A_89] : memref<10240x128xf32, #tpu.memory_space<vmem_shared>> -> memref<640x128xf32, #tpu.memory_space<vmem_shared>>
      %dma_start3A_91 = arith.constant 0 : i32
      %dma_start3A_92 = tpu.memref_slice %arg5[%mul3A_4, %dma_start3A_91] : memref<10240x128xf32, #tpu.memory_space<hbm>> -> memref<640x128xf32, #tpu.memory_space<hbm>>
      tpu.enqueue_dma source(%dma_start3A_92 : memref<640x128xf32, #tpu.memory_space<hbm>>) target(%dma_start3A_90 : memref<640x128xf32, #tpu.memory_space<vmem_shared>>) target_semaphore(%run_scoped3A : memref<!tpu.dma_semaphore, #tpu.memory_space<semaphore_mem>>)
      %dma_wait3A = arith.constant 0 : i32
      %dma_wait3A_93 = tpu.memref_slice %arg13[%mul3A_6, %dma_wait3A] : memref<10240x128xf32, #tpu.memory_space<vmem_shared>> -> memref<640x128xf32, #tpu.memory_space<vmem_shared>>
      %dma_wait3A_94 = arith.constant 0 : i32
      %dma_wait3A_95 = tpu.memref_slice %arg5[%mul3A_4, %dma_wait3A_94] : memref<10240x128xf32, #tpu.memory_space<hbm>> -> memref<640x128xf32, #tpu.memory_space<hbm>>
      tpu.wait_dma2 semaphore(%run_scoped3A : memref<!tpu.dma_semaphore, #tpu.memory_space<semaphore_mem>>) src(%dma_wait3A_95 : memref<640x128xf32, #tpu.memory_space<hbm>>) dst(%dma_wait3A_93 : memref<640x128xf32, #tpu.memory_space<vmem_shared>>)
      tpu.yield
    }) : () -> ()
    %barrier3A = arith.constant 0 : index
    tpu.barrier barrier_id(%barrier3A)
    %add3A_7 = arith.constant 0 : i32
    %add3A_8 = arith.addi %mul3A_2, %add3A_7 : i32
    "tpu.region"() ({
      %run_scoped3A = tpu.sem_alloc : memref<!tpu.dma_semaphore, #tpu.memory_space<semaphore_mem>>
      %dma_start3A_89 = arith.constant 0 : i32
      %dma_start3A_90 = tpu.memref_slice %arg2[%add3A_8, %dma_start3A_89] : memref<2560x128xi32, #tpu.memory_space<hbm>> -> memref<40x128xi32, #tpu.memory_space<hbm>>
      %dma_start3A_91 = arith.constant 0 : i32
      %dma_start3A_92 = tpu.memref_slice %arg2[%add3A_8, %dma_start3A_91] : memref<2560x128xi32, #tpu.memory_space<hbm>> -> memref<40x128xi32, #tpu.memory_space<hbm>>
      tpu.enqueue_dma source(%dma_start3A_92 : memref<40x128xi32, #tpu.memory_space<hbm>>) target(%arg7 : memref<40x128xi32, #tpu.memory_space<vmem>>) target_semaphore(%run_scoped3A : memref<!tpu.dma_semaphore, #tpu.memory_space<semaphore_mem>>)
      %dma_wait3A = arith.constant 0 : i32
      %dma_wait3A_93 = tpu.memref_slice %arg2[%add3A_8, %dma_wait3A] : memref<2560x128xi32, #tpu.memory_space<hbm>> -> memref<40x128xi32, #tpu.memory_space<hbm>>
      %dma_wait3A_94 = arith.constant 0 : i32
      %dma_wait3A_95 = tpu.memref_slice %arg2[%add3A_8, %dma_wait3A_94] : memref<2560x128xi32, #tpu.memory_space<hbm>> -> memref<40x128xi32, #tpu.memory_space<hbm>>
      tpu.wait_dma2 semaphore(%run_scoped3A : memref<!tpu.dma_semaphore, #tpu.memory_space<semaphore_mem>>) src(%dma_wait3A_95 : memref<40x128xi32, #tpu.memory_space<hbm>>) dst(%arg7 : memref<40x128xi32, #tpu.memory_space<vmem>>)
      tpu.yield
    }) : () -> ()
    %add3A_9 = arith.constant 0 : i32
    %add3A_10 = arith.addi %mul3A_2, %add3A_9 : i32
    "tpu.region"() ({
      %run_scoped3A = tpu.sem_alloc : memref<!tpu.dma_semaphore, #tpu.memory_space<semaphore_mem>>
      %dma_start3A_89 = arith.constant 0 : i32
      %dma_start3A_90 = tpu.memref_slice %arg3[%add3A_10, %dma_start3A_89] : memref<2560x128xi32, #tpu.memory_space<hbm>> -> memref<40x128xi32, #tpu.memory_space<hbm>>
      %dma_start3A_91 = arith.constant 0 : i32
      %dma_start3A_92 = tpu.memref_slice %arg3[%add3A_10, %dma_start3A_91] : memref<2560x128xi32, #tpu.memory_space<hbm>> -> memref<40x128xi32, #tpu.memory_space<hbm>>
      tpu.enqueue_dma source(%dma_start3A_92 : memref<40x128xi32, #tpu.memory_space<hbm>>) target(%arg8 : memref<40x128xi32, #tpu.memory_space<vmem>>) target_semaphore(%run_scoped3A : memref<!tpu.dma_semaphore, #tpu.memory_space<semaphore_mem>>)
      %dma_wait3A = arith.constant 0 : i32
      %dma_wait3A_93 = tpu.memref_slice %arg3[%add3A_10, %dma_wait3A] : memref<2560x128xi32, #tpu.memory_space<hbm>> -> memref<40x128xi32, #tpu.memory_space<hbm>>
      %dma_wait3A_94 = arith.constant 0 : i32
      %dma_wait3A_95 = tpu.memref_slice %arg3[%add3A_10, %dma_wait3A_94] : memref<2560x128xi32, #tpu.memory_space<hbm>> -> memref<40x128xi32, #tpu.memory_space<hbm>>
      tpu.wait_dma2 semaphore(%run_scoped3A : memref<!tpu.dma_semaphore, #tpu.memory_space<semaphore_mem>>) src(%dma_wait3A_95 : memref<40x128xi32, #tpu.memory_space<hbm>>) dst(%arg8 : memref<40x128xi32, #tpu.memory_space<vmem>>)
      tpu.yield
    }) : () -> ()
    %dma_start3A = arith.constant 0 : i32
    %dma_start3A_11 = arith.constant 0 : i32
    %dma_start3A_12 = tpu.memref_slice %arg7[%dma_start3A, %dma_start3A_11] : memref<40x128xi32, #tpu.memory_space<vmem>> -> memref<1x128xi32, #tpu.memory_space<vmem>>
    %dma_start3A_13 = tpu.memref_squeeze %dma_start3A_12 : memref<1x128xi32, #tpu.memory_space<vmem>> -> memref<128xi32, #tpu.memory_space<vmem>>
    %dma_start3A_14 = arith.constant 0 : i32
    %dma_start3A_15 = arith.constant 0 : i32
    %dma_start3A_16 = tpu.memref_slice %arg4[%dma_start3A_14, %dma_start3A_15] : memref<10240x128xf32, #tpu.memory_space<hbm>> -> memref<10240x128xf32, #tpu.memory_space<hbm>>
    tpu.enqueue_indirect_dma source(%dma_start3A_16 : memref<10240x128xf32, #tpu.memory_space<hbm>>) target(%arg9 : memref<128x128xf32, #tpu.memory_space<vmem>>) offsets(%dma_start3A_13 : memref<128xi32, #tpu.memory_space<vmem>>) semaphore(%arg11 : memref<!tpu.dma_semaphore, #tpu.memory_space<semaphore_mem>>)
    %dma_start3A_17 = arith.constant 1 : i32
    %dma_start3A_18 = arith.constant 0 : i32
    %dma_start3A_19 = tpu.memref_slice %arg7[%dma_start3A_17, %dma_start3A_18] : memref<40x128xi32, #tpu.memory_space<vmem>> -> memref<1x128xi32, #tpu.memory_space<vmem>>
    %dma_start3A_20 = tpu.memref_squeeze %dma_start3A_19 : memref<1x128xi32, #tpu.memory_space<vmem>> -> memref<128xi32, #tpu.memory_space<vmem>>
    %dma_start3A_21 = arith.constant 0 : i32
    %dma_start3A_22 = arith.constant 0 : i32
    %dma_start3A_23 = tpu.memref_slice %arg4[%dma_start3A_21, %dma_start3A_22] : memref<10240x128xf32, #tpu.memory_space<hbm>> -> memref<10240x128xf32, #tpu.memory_space<hbm>>
    tpu.enqueue_indirect_dma source(%dma_start3A_23 : memref<10240x128xf32, #tpu.memory_space<hbm>>) target(%arg10 : memref<128x128xf32, #tpu.memory_space<vmem>>) offsets(%dma_start3A_20 : memref<128xi32, #tpu.memory_space<vmem>>) semaphore(%arg12 : memref<!tpu.dma_semaphore, #tpu.memory_space<semaphore_mem>>)
    %scan3A = arith.constant 0 : i32
    %scan3A_24 = arith.constant 0 : i32
    %scan3A_25 = arith.constant 20 : i32
    %scan3A_26 = arith.addi %scan3A_24, %scan3A_25 : i32
    %scan3A_27 = arith.constant 1 : i32
    scf.for %scan3A_89 = %scan3A_24 to %scan3A_26 step %scan3A_27  : i32 {
      %mul3A_90 = arith.constant 2 : i32
      %mul3A_91 = arith.muli %mul3A_90, %scan3A_89 : i32
      %dma_wait3A = arith.constant 0 : i32
      %dma_wait3A_92 = tpu.memref_slice %arg7[%mul3A_91, %dma_wait3A] : memref<40x128xi32, #tpu.memory_space<vmem>> -> memref<1x128xi32, #tpu.memory_space<vmem>>
      %dma_wait3A_93 = tpu.memref_squeeze %dma_wait3A_92 : memref<1x128xi32, #tpu.memory_space<vmem>> -> memref<128xi32, #tpu.memory_space<vmem>>
      %dma_wait3A_94 = arith.constant 0 : i32
      %dma_wait3A_95 = arith.constant 0 : i32
      %dma_wait3A_96 = tpu.memref_slice %arg4[%dma_wait3A_94, %dma_wait3A_95] : memref<10240x128xf32, #tpu.memory_space<hbm>> -> memref<10240x128xf32, #tpu.memory_space<hbm>>
      tpu.wait_indirect_dma semaphore(%arg11 : memref<!tpu.dma_semaphore, #tpu.memory_space<semaphore_mem>>) src(%dma_wait3A_96 : memref<10240x128xf32, #tpu.memory_space<hbm>>) dst(%arg9 : memref<128x128xf32, #tpu.memory_space<vmem>>)
      "tpu.region"() ({
        %run_scoped3A = tpu.sem_alloc : memref<!tpu.dma_semaphore, #tpu.memory_space<semaphore_mem>>
        %dma_start3A_116 = arith.constant 0 : i32
        %dma_start3A_117 = tpu.memref_slice %arg8[%mul3A_91, %dma_start3A_116] : memref<40x128xi32, #tpu.memory_space<vmem>> -> memref<1x128xi32, #tpu.memory_space<vmem>>
        %dma_start3A_118 = tpu.memref_squeeze %dma_start3A_117 : memref<1x128xi32, #tpu.memory_space<vmem>> -> memref<128xi32, #tpu.memory_space<vmem>>
        %dma_start3A_119 = arith.constant 0 : i32
        %dma_start3A_120 = arith.constant 0 : i32
        %dma_start3A_121 = tpu.memref_slice %arg13[%dma_start3A_119, %dma_start3A_120] : memref<10240x128xf32, #tpu.memory_space<vmem_shared>> -> memref<10240x128xf32, #tpu.memory_space<vmem_shared>>
        tpu.enqueue_indirect_dma source(%arg9 : memref<128x128xf32, #tpu.memory_space<vmem>>) target(%dma_start3A_121 : memref<10240x128xf32, #tpu.memory_space<vmem_shared>>) offsets(%dma_start3A_118 : memref<128xi32, #tpu.memory_space<vmem>>) semaphore(%run_scoped3A : memref<!tpu.dma_semaphore, #tpu.memory_space<semaphore_mem>>) {add = true}
        %dma_wait3A_122 = arith.constant 0 : i32
        %dma_wait3A_123 = tpu.memref_slice %arg8[%mul3A_91, %dma_wait3A_122] : memref<40x128xi32, #tpu.memory_space<vmem>> -> memref<1x128xi32, #tpu.memory_space<vmem>>
        %dma_wait3A_124 = tpu.memref_squeeze %dma_wait3A_123 : memref<1x128xi32, #tpu.memory_space<vmem>> -> memref<128xi32, #tpu.memory_space<vmem>>
        %dma_wait3A_125 = arith.constant 0 : i32
        %dma_wait3A_126 = arith.constant 0 : i32
        %dma_wait3A_127 = tpu.memref_slice %arg13[%dma_wait3A_125, %dma_wait3A_126] : memref<10240x128xf32, #tpu.memory_space<vmem_shared>> -> memref<10240x128xf32, #tpu.memory_space<vmem_shared>>
        tpu.wait_indirect_dma semaphore(%run_scoped3A : memref<!tpu.dma_semaphore, #tpu.memory_space<semaphore_mem>>) src(%arg9 : memref<128x128xf32, #tpu.memory_space<vmem>>) dst(%dma_wait3A_127 : memref<10240x128xf32, #tpu.memory_space<vmem_shared>>)
        tpu.yield
      }) : () -> ()
      %add3A_97 = arith.constant 2 : i32
      %add3A_98 = arith.addi %mul3A_91, %add3A_97 : i32
      %lt3A = arith.constant 40 : i32
      %lt3A_99 = arith.cmpi slt, %add3A_98, %lt3A : i32
      %convert_element_type3A = arith.extui %lt3A_99 : i1 to i32
      %cond3A = arith.constant 0 : i32
      %cond3A_100 = arith.cmpi ne, %convert_element_type3A, %cond3A : i32
      scf.if %cond3A_100 {
        %add3A_116 = arith.constant 2 : i32
        %add3A_117 = arith.addi %mul3A_91, %add3A_116 : i32
        %dma_start3A_118 = arith.constant 0 : i32
        %dma_start3A_119 = tpu.memref_slice %arg7[%add3A_117, %dma_start3A_118] : memref<40x128xi32, #tpu.memory_space<vmem>> -> memref<1x128xi32, #tpu.memory_space<vmem>>
        %dma_start3A_120 = tpu.memref_squeeze %dma_start3A_119 : memref<1x128xi32, #tpu.memory_space<vmem>> -> memref<128xi32, #tpu.memory_space<vmem>>
        %dma_start3A_121 = arith.constant 0 : i32
        %dma_start3A_122 = arith.constant 0 : i32
        %dma_start3A_123 = tpu.memref_slice %arg4[%dma_start3A_121, %dma_start3A_122] : memref<10240x128xf32, #tpu.memory_space<hbm>> -> memref<10240x128xf32, #tpu.memory_space<hbm>>
        tpu.enqueue_indirect_dma source(%dma_start3A_123 : memref<10240x128xf32, #tpu.memory_space<hbm>>) target(%arg9 : memref<128x128xf32, #tpu.memory_space<vmem>>) offsets(%dma_start3A_120 : memref<128xi32, #tpu.memory_space<vmem>>) semaphore(%arg11 : memref<!tpu.dma_semaphore, #tpu.memory_space<semaphore_mem>>)
      } else {
      }
      %add3A_101 = arith.constant 1 : i32
      %add3A_102 = arith.addi %mul3A_91, %add3A_101 : i32
      %dma_wait3A_103 = arith.constant 0 : i32
      %dma_wait3A_104 = tpu.memref_slice %arg7[%add3A_102, %dma_wait3A_103] : memref<40x128xi32, #tpu.memory_space<vmem>> -> memref<1x128xi32, #tpu.memory_space<vmem>>
      %dma_wait3A_105 = tpu.memref_squeeze %dma_wait3A_104 : memref<1x128xi32, #tpu.memory_space<vmem>> -> memref<128xi32, #tpu.memory_space<vmem>>
      %dma_wait3A_106 = arith.constant 0 : i32
      %dma_wait3A_107 = arith.constant 0 : i32
      %dma_wait3A_108 = tpu.memref_slice %arg4[%dma_wait3A_106, %dma_wait3A_107] : memref<10240x128xf32, #tpu.memory_space<hbm>> -> memref<10240x128xf32, #tpu.memory_space<hbm>>
      tpu.wait_indirect_dma semaphore(%arg12 : memref<!tpu.dma_semaphore, #tpu.memory_space<semaphore_mem>>) src(%dma_wait3A_108 : memref<10240x128xf32, #tpu.memory_space<hbm>>) dst(%arg10 : memref<128x128xf32, #tpu.memory_space<vmem>>)
      "tpu.region"() ({
        %run_scoped3A = tpu.sem_alloc : memref<!tpu.dma_semaphore, #tpu.memory_space<semaphore_mem>>
        %dma_start3A_116 = arith.constant 0 : i32
        %dma_start3A_117 = tpu.memref_slice %arg8[%add3A_102, %dma_start3A_116] : memref<40x128xi32, #tpu.memory_space<vmem>> -> memref<1x128xi32, #tpu.memory_space<vmem>>
        %dma_start3A_118 = tpu.memref_squeeze %dma_start3A_117 : memref<1x128xi32, #tpu.memory_space<vmem>> -> memref<128xi32, #tpu.memory_space<vmem>>
        %dma_start3A_119 = arith.constant 0 : i32
        %dma_start3A_120 = arith.constant 0 : i32
        %dma_start3A_121 = tpu.memref_slice %arg13[%dma_start3A_119, %dma_start3A_120] : memref<10240x128xf32, #tpu.memory_space<vmem_shared>> -> memref<10240x128xf32, #tpu.memory_space<vmem_shared>>
        tpu.enqueue_indirect_dma source(%arg10 : memref<128x128xf32, #tpu.memory_space<vmem>>) target(%dma_start3A_121 : memref<10240x128xf32, #tpu.memory_space<vmem_shared>>) offsets(%dma_start3A_118 : memref<128xi32, #tpu.memory_space<vmem>>) semaphore(%run_scoped3A : memref<!tpu.dma_semaphore, #tpu.memory_space<semaphore_mem>>) {add = true}
        %dma_wait3A_122 = arith.constant 0 : i32
        %dma_wait3A_123 = tpu.memref_slice %arg8[%add3A_102, %dma_wait3A_122] : memref<40x128xi32, #tpu.memory_space<vmem>> -> memref<1x128xi32, #tpu.memory_space<vmem>>
        %dma_wait3A_124 = tpu.memref_squeeze %dma_wait3A_123 : memref<1x128xi32, #tpu.memory_space<vmem>> -> memref<128xi32, #tpu.memory_space<vmem>>
        %dma_wait3A_125 = arith.constant 0 : i32
        %dma_wait3A_126 = arith.constant 0 : i32
        %dma_wait3A_127 = tpu.memref_slice %arg13[%dma_wait3A_125, %dma_wait3A_126] : memref<10240x128xf32, #tpu.memory_space<vmem_shared>> -> memref<10240x128xf32, #tpu.memory_space<vmem_shared>>
        tpu.wait_indirect_dma semaphore(%run_scoped3A : memref<!tpu.dma_semaphore, #tpu.memory_space<semaphore_mem>>) src(%arg10 : memref<128x128xf32, #tpu.memory_space<vmem>>) dst(%dma_wait3A_127 : memref<10240x128xf32, #tpu.memory_space<vmem_shared>>)
        tpu.yield
      }) : () -> ()
      %add3A_109 = arith.constant 2 : i32
      %add3A_110 = arith.addi %add3A_102, %add3A_109 : i32
      %lt3A_111 = arith.constant 40 : i32
      %lt3A_112 = arith.cmpi slt, %add3A_110, %lt3A_111 : i32
      %convert_element_type3A_113 = arith.extui %lt3A_112 : i1 to i32
      %cond3A_114 = arith.constant 0 : i32
      %cond3A_115 = arith.cmpi ne, %convert_element_type3A_113, %cond3A_114 : i32
      scf.if %cond3A_115 {
        %add3A_116 = arith.constant 2 : i32
        %add3A_117 = arith.addi %add3A_102, %add3A_116 : i32
        %dma_start3A_118 = arith.constant 0 : i32
        %dma_start3A_119 = tpu.memref_slice %arg7[%add3A_117, %dma_start3A_118] : memref<40x128xi32, #tpu.memory_space<vmem>> -> memref<1x128xi32, #tpu.memory_space<vmem>>
        %dma_start3A_120 = tpu.memref_squeeze %dma_start3A_119 : memref<1x128xi32, #tpu.memory_space<vmem>> -> memref<128xi32, #tpu.memory_space<vmem>>
        %dma_start3A_121 = arith.constant 0 : i32
        %dma_start3A_122 = arith.constant 0 : i32
        %dma_start3A_123 = tpu.memref_slice %arg4[%dma_start3A_121, %dma_start3A_122] : memref<10240x128xf32, #tpu.memory_space<hbm>> -> memref<10240x128xf32, #tpu.memory_space<hbm>>
        tpu.enqueue_indirect_dma source(%dma_start3A_123 : memref<10240x128xf32, #tpu.memory_space<hbm>>) target(%arg10 : memref<128x128xf32, #tpu.memory_space<vmem>>) offsets(%dma_start3A_120 : memref<128xi32, #tpu.memory_space<vmem>>) semaphore(%arg12 : memref<!tpu.dma_semaphore, #tpu.memory_space<semaphore_mem>>)
      } else {
      }
    }
    %scan3A_28 = arith.constant 20 : i32
    %add3A_29 = arith.constant 40 : i32
    %add3A_30 = arith.addi %mul3A_2, %add3A_29 : i32
    "tpu.region"() ({
      %run_scoped3A = tpu.sem_alloc : memref<!tpu.dma_semaphore, #tpu.memory_space<semaphore_mem>>
      %dma_start3A_89 = arith.constant 0 : i32
      %dma_start3A_90 = tpu.memref_slice %arg2[%add3A_30, %dma_start3A_89] : memref<2560x128xi32, #tpu.memory_space<hbm>> -> memref<40x128xi32, #tpu.memory_space<hbm>>
      %dma_start3A_91 = arith.constant 0 : i32
      %dma_start3A_92 = tpu.memref_slice %arg2[%add3A_30, %dma_start3A_91] : memref<2560x128xi32, #tpu.memory_space<hbm>> -> memref<40x128xi32, #tpu.memory_space<hbm>>
      tpu.enqueue_dma source(%dma_start3A_92 : memref<40x128xi32, #tpu.memory_space<hbm>>) target(%arg7 : memref<40x128xi32, #tpu.memory_space<vmem>>) target_semaphore(%run_scoped3A : memref<!tpu.dma_semaphore, #tpu.memory_space<semaphore_mem>>)
      %dma_wait3A = arith.constant 0 : i32
      %dma_wait3A_93 = tpu.memref_slice %arg2[%add3A_30, %dma_wait3A] : memref<2560x128xi32, #tpu.memory_space<hbm>> -> memref<40x128xi32, #tpu.memory_space<hbm>>
      %dma_wait3A_94 = arith.constant 0 : i32
      %dma_wait3A_95 = tpu.memref_slice %arg2[%add3A_30, %dma_wait3A_94] : memref<2560x128xi32, #tpu.memory_space<hbm>> -> memref<40x128xi32, #tpu.memory_space<hbm>>
      tpu.wait_dma2 semaphore(%run_scoped3A : memref<!tpu.dma_semaphore, #tpu.memory_space<semaphore_mem>>) src(%dma_wait3A_95 : memref<40x128xi32, #tpu.memory_space<hbm>>) dst(%arg7 : memref<40x128xi32, #tpu.memory_space<vmem>>)
      tpu.yield
    }) : () -> ()
    %add3A_31 = arith.constant 40 : i32
    %add3A_32 = arith.addi %mul3A_2, %add3A_31 : i32
    "tpu.region"() ({
      %run_scoped3A = tpu.sem_alloc : memref<!tpu.dma_semaphore, #tpu.memory_space<semaphore_mem>>
      %dma_start3A_89 = arith.constant 0 : i32
      %dma_start3A_90 = tpu.memref_slice %arg3[%add3A_32, %dma_start3A_89] : memref<2560x128xi32, #tpu.memory_space<hbm>> -> memref<40x128xi32, #tpu.memory_space<hbm>>
      %dma_start3A_91 = arith.constant 0 : i32
      %dma_start3A_92 = tpu.memref_slice %arg3[%add3A_32, %dma_start3A_91] : memref<2560x128xi32, #tpu.memory_space<hbm>> -> memref<40x128xi32, #tpu.memory_space<hbm>>
      tpu.enqueue_dma source(%dma_start3A_92 : memref<40x128xi32, #tpu.memory_space<hbm>>) target(%arg8 : memref<40x128xi32, #tpu.memory_space<vmem>>) target_semaphore(%run_scoped3A : memref<!tpu.dma_semaphore, #tpu.memory_space<semaphore_mem>>)
      %dma_wait3A = arith.constant 0 : i32
      %dma_wait3A_93 = tpu.memref_slice %arg3[%add3A_32, %dma_wait3A] : memref<2560x128xi32, #tpu.memory_space<hbm>> -> memref<40x128xi32, #tpu.memory_space<hbm>>
      %dma_wait3A_94 = arith.constant 0 : i32
      %dma_wait3A_95 = tpu.memref_slice %arg3[%add3A_32, %dma_wait3A_94] : memref<2560x128xi32, #tpu.memory_space<hbm>> -> memref<40x128xi32, #tpu.memory_space<hbm>>
      tpu.wait_dma2 semaphore(%run_scoped3A : memref<!tpu.dma_semaphore, #tpu.memory_space<semaphore_mem>>) src(%dma_wait3A_95 : memref<40x128xi32, #tpu.memory_space<hbm>>) dst(%arg8 : memref<40x128xi32, #tpu.memory_space<vmem>>)
      tpu.yield
    }) : () -> ()
    %dma_start3A_33 = arith.constant 0 : i32
    %dma_start3A_34 = arith.constant 0 : i32
    %dma_start3A_35 = tpu.memref_slice %arg7[%dma_start3A_33, %dma_start3A_34] : memref<40x128xi32, #tpu.memory_space<vmem>> -> memref<1x128xi32, #tpu.memory_space<vmem>>
    %dma_start3A_36 = tpu.memref_squeeze %dma_start3A_35 : memref<1x128xi32, #tpu.memory_space<vmem>> -> memref<128xi32, #tpu.memory_space<vmem>>
    %dma_start3A_37 = arith.constant 0 : i32
    %dma_start3A_38 = arith.constant 0 : i32
    %dma_start3A_39 = tpu.memref_slice %arg4[%dma_start3A_37, %dma_start3A_38] : memref<10240x128xf32, #tpu.memory_space<hbm>> -> memref<10240x128xf32, #tpu.memory_space<hbm>>
    tpu.enqueue_indirect_dma source(%dma_start3A_39 : memref<10240x128xf32, #tpu.memory_space<hbm>>) target(%arg9 : memref<128x128xf32, #tpu.memory_space<vmem>>) offsets(%dma_start3A_36 : memref<128xi32, #tpu.memory_space<vmem>>) semaphore(%arg11 : memref<!tpu.dma_semaphore, #tpu.memory_space<semaphore_mem>>)
    %dma_start3A_40 = arith.constant 1 : i32
    %dma_start3A_41 = arith.constant 0 : i32
    %dma_start3A_42 = tpu.memref_slice %arg7[%dma_start3A_40, %dma_start3A_41] : memref<40x128xi32, #tpu.memory_space<vmem>> -> memref<1x128xi32, #tpu.memory_space<vmem>>
    %dma_start3A_43 = tpu.memref_squeeze %dma_start3A_42 : memref<1x128xi32, #tpu.memory_space<vmem>> -> memref<128xi32, #tpu.memory_space<vmem>>
    %dma_start3A_44 = arith.constant 0 : i32
    %dma_start3A_45 = arith.constant 0 : i32
    %dma_start3A_46 = tpu.memref_slice %arg4[%dma_start3A_44, %dma_start3A_45] : memref<10240x128xf32, #tpu.memory_space<hbm>> -> memref<10240x128xf32, #tpu.memory_space<hbm>>
    tpu.enqueue_indirect_dma source(%dma_start3A_46 : memref<10240x128xf32, #tpu.memory_space<hbm>>) target(%arg10 : memref<128x128xf32, #tpu.memory_space<vmem>>) offsets(%dma_start3A_43 : memref<128xi32, #tpu.memory_space<vmem>>) semaphore(%arg12 : memref<!tpu.dma_semaphore, #tpu.memory_space<semaphore_mem>>)
    %scan3A_47 = arith.constant 0 : i32
    %scan3A_48 = arith.constant 0 : i32
    %scan3A_49 = arith.constant 20 : i32
    %scan3A_50 = arith.addi %scan3A_48, %scan3A_49 : i32
    %scan3A_51 = arith.constant 1 : i32
    scf.for %scan3A_89 = %scan3A_48 to %scan3A_50 step %scan3A_51  : i32 {
      %mul3A_90 = arith.constant 2 : i32
      %mul3A_91 = arith.muli %mul3A_90, %scan3A_89 : i32
      %dma_wait3A = arith.constant 0 : i32
      %dma_wait3A_92 = tpu.memref_slice %arg7[%mul3A_91, %dma_wait3A] : memref<40x128xi32, #tpu.memory_space<vmem>> -> memref<1x128xi32, #tpu.memory_space<vmem>>
      %dma_wait3A_93 = tpu.memref_squeeze %dma_wait3A_92 : memref<1x128xi32, #tpu.memory_space<vmem>> -> memref<128xi32, #tpu.memory_space<vmem>>
      %dma_wait3A_94 = arith.constant 0 : i32
      %dma_wait3A_95 = arith.constant 0 : i32
      %dma_wait3A_96 = tpu.memref_slice %arg4[%dma_wait3A_94, %dma_wait3A_95] : memref<10240x128xf32, #tpu.memory_space<hbm>> -> memref<10240x128xf32, #tpu.memory_space<hbm>>
      tpu.wait_indirect_dma semaphore(%arg11 : memref<!tpu.dma_semaphore, #tpu.memory_space<semaphore_mem>>) src(%dma_wait3A_96 : memref<10240x128xf32, #tpu.memory_space<hbm>>) dst(%arg9 : memref<128x128xf32, #tpu.memory_space<vmem>>)
      "tpu.region"() ({
        %run_scoped3A = tpu.sem_alloc : memref<!tpu.dma_semaphore, #tpu.memory_space<semaphore_mem>>
        %dma_start3A_116 = arith.constant 0 : i32
        %dma_start3A_117 = tpu.memref_slice %arg8[%mul3A_91, %dma_start3A_116] : memref<40x128xi32, #tpu.memory_space<vmem>> -> memref<1x128xi32, #tpu.memory_space<vmem>>
        %dma_start3A_118 = tpu.memref_squeeze %dma_start3A_117 : memref<1x128xi32, #tpu.memory_space<vmem>> -> memref<128xi32, #tpu.memory_space<vmem>>
        %dma_start3A_119 = arith.constant 0 : i32
        %dma_start3A_120 = arith.constant 0 : i32
        %dma_start3A_121 = tpu.memref_slice %arg13[%dma_start3A_119, %dma_start3A_120] : memref<10240x128xf32, #tpu.memory_space<vmem_shared>> -> memref<10240x128xf32, #tpu.memory_space<vmem_shared>>
        tpu.enqueue_indirect_dma source(%arg9 : memref<128x128xf32, #tpu.memory_space<vmem>>) target(%dma_start3A_121 : memref<10240x128xf32, #tpu.memory_space<vmem_shared>>) offsets(%dma_start3A_118 : memref<128xi32, #tpu.memory_space<vmem>>) semaphore(%run_scoped3A : memref<!tpu.dma_semaphore, #tpu.memory_space<semaphore_mem>>) {add = true}
        %dma_wait3A_122 = arith.constant 0 : i32
        %dma_wait3A_123 = tpu.memref_slice %arg8[%mul3A_91, %dma_wait3A_122] : memref<40x128xi32, #tpu.memory_space<vmem>> -> memref<1x128xi32, #tpu.memory_space<vmem>>
        %dma_wait3A_124 = tpu.memref_squeeze %dma_wait3A_123 : memref<1x128xi32, #tpu.memory_space<vmem>> -> memref<128xi32, #tpu.memory_space<vmem>>
        %dma_wait3A_125 = arith.constant 0 : i32
        %dma_wait3A_126 = arith.constant 0 : i32
        %dma_wait3A_127 = tpu.memref_slice %arg13[%dma_wait3A_125, %dma_wait3A_126] : memref<10240x128xf32, #tpu.memory_space<vmem_shared>> -> memref<10240x128xf32, #tpu.memory_space<vmem_shared>>
        tpu.wait_indirect_dma semaphore(%run_scoped3A : memref<!tpu.dma_semaphore, #tpu.memory_space<semaphore_mem>>) src(%arg9 : memref<128x128xf32, #tpu.memory_space<vmem>>) dst(%dma_wait3A_127 : memref<10240x128xf32, #tpu.memory_space<vmem_shared>>)
        tpu.yield
      }) : () -> ()
      %add3A_97 = arith.constant 2 : i32
      %add3A_98 = arith.addi %mul3A_91, %add3A_97 : i32
      %lt3A = arith.constant 40 : i32
      %lt3A_99 = arith.cmpi slt, %add3A_98, %lt3A : i32
      %convert_element_type3A = arith.extui %lt3A_99 : i1 to i32
      %cond3A = arith.constant 0 : i32
      %cond3A_100 = arith.cmpi ne, %convert_element_type3A, %cond3A : i32
      scf.if %cond3A_100 {
        %add3A_116 = arith.constant 2 : i32
        %add3A_117 = arith.addi %mul3A_91, %add3A_116 : i32
        %dma_start3A_118 = arith.constant 0 : i32
        %dma_start3A_119 = tpu.memref_slice %arg7[%add3A_117, %dma_start3A_118] : memref<40x128xi32, #tpu.memory_space<vmem>> -> memref<1x128xi32, #tpu.memory_space<vmem>>
        %dma_start3A_120 = tpu.memref_squeeze %dma_start3A_119 : memref<1x128xi32, #tpu.memory_space<vmem>> -> memref<128xi32, #tpu.memory_space<vmem>>
        %dma_start3A_121 = arith.constant 0 : i32
        %dma_start3A_122 = arith.constant 0 : i32
        %dma_start3A_123 = tpu.memref_slice %arg4[%dma_start3A_121, %dma_start3A_122] : memref<10240x128xf32, #tpu.memory_space<hbm>> -> memref<10240x128xf32, #tpu.memory_space<hbm>>
        tpu.enqueue_indirect_dma source(%dma_start3A_123 : memref<10240x128xf32, #tpu.memory_space<hbm>>) target(%arg9 : memref<128x128xf32, #tpu.memory_space<vmem>>) offsets(%dma_start3A_120 : memref<128xi32, #tpu.memory_space<vmem>>) semaphore(%arg11 : memref<!tpu.dma_semaphore, #tpu.memory_space<semaphore_mem>>)
      } else {
      }
      %add3A_101 = arith.constant 1 : i32
      %add3A_102 = arith.addi %mul3A_91, %add3A_101 : i32
      %dma_wait3A_103 = arith.constant 0 : i32
      %dma_wait3A_104 = tpu.memref_slice %arg7[%add3A_102, %dma_wait3A_103] : memref<40x128xi32, #tpu.memory_space<vmem>> -> memref<1x128xi32, #tpu.memory_space<vmem>>
      %dma_wait3A_105 = tpu.memref_squeeze %dma_wait3A_104 : memref<1x128xi32, #tpu.memory_space<vmem>> -> memref<128xi32, #tpu.memory_space<vmem>>
      %dma_wait3A_106 = arith.constant 0 : i32
      %dma_wait3A_107 = arith.constant 0 : i32
      %dma_wait3A_108 = tpu.memref_slice %arg4[%dma_wait3A_106, %dma_wait3A_107] : memref<10240x128xf32, #tpu.memory_space<hbm>> -> memref<10240x128xf32, #tpu.memory_space<hbm>>
      tpu.wait_indirect_dma semaphore(%arg12 : memref<!tpu.dma_semaphore, #tpu.memory_space<semaphore_mem>>) src(%dma_wait3A_108 : memref<10240x128xf32, #tpu.memory_space<hbm>>) dst(%arg10 : memref<128x128xf32, #tpu.memory_space<vmem>>)
      "tpu.region"() ({
        %run_scoped3A = tpu.sem_alloc : memref<!tpu.dma_semaphore, #tpu.memory_space<semaphore_mem>>
        %dma_start3A_116 = arith.constant 0 : i32
        %dma_start3A_117 = tpu.memref_slice %arg8[%add3A_102, %dma_start3A_116] : memref<40x128xi32, #tpu.memory_space<vmem>> -> memref<1x128xi32, #tpu.memory_space<vmem>>
        %dma_start3A_118 = tpu.memref_squeeze %dma_start3A_117 : memref<1x128xi32, #tpu.memory_space<vmem>> -> memref<128xi32, #tpu.memory_space<vmem>>
        %dma_start3A_119 = arith.constant 0 : i32
        %dma_start3A_120 = arith.constant 0 : i32
        %dma_start3A_121 = tpu.memref_slice %arg13[%dma_start3A_119, %dma_start3A_120] : memref<10240x128xf32, #tpu.memory_space<vmem_shared>> -> memref<10240x128xf32, #tpu.memory_space<vmem_shared>>
        tpu.enqueue_indirect_dma source(%arg10 : memref<128x128xf32, #tpu.memory_space<vmem>>) target(%dma_start3A_121 : memref<10240x128xf32, #tpu.memory_space<vmem_shared>>) offsets(%dma_start3A_118 : memref<128xi32, #tpu.memory_space<vmem>>) semaphore(%run_scoped3A : memref<!tpu.dma_semaphore, #tpu.memory_space<semaphore_mem>>) {add = true}
        %dma_wait3A_122 = arith.constant 0 : i32
        %dma_wait3A_123 = tpu.memref_slice %arg8[%add3A_102, %dma_wait3A_122] : memref<40x128xi32, #tpu.memory_space<vmem>> -> memref<1x128xi32, #tpu.memory_space<vmem>>
        %dma_wait3A_124 = tpu.memref_squeeze %dma_wait3A_123 : memref<1x128xi32, #tpu.memory_space<vmem>> -> memref<128xi32, #tpu.memory_space<vmem>>
        %dma_wait3A_125 = arith.constant 0 : i32
        %dma_wait3A_126 = arith.constant 0 : i32
        %dma_wait3A_127 = tpu.memref_slice %arg13[%dma_wait3A_125, %dma_wait3A_126] : memref<10240x128xf32, #tpu.memory_space<vmem_shared>> -> memref<10240x128xf32, #tpu.memory_space<vmem_shared>>
        tpu.wait_indirect_dma semaphore(%run_scoped3A : memref<!tpu.dma_semaphore, #tpu.memory_space<semaphore_mem>>) src(%arg10 : memref<128x128xf32, #tpu.memory_space<vmem>>) dst(%dma_wait3A_127 : memref<10240x128xf32, #tpu.memory_space<vmem_shared>>)
        tpu.yield
      }) : () -> ()
      %add3A_109 = arith.constant 2 : i32
      %add3A_110 = arith.addi %add3A_102, %add3A_109 : i32
      %lt3A_111 = arith.constant 40 : i32
      %lt3A_112 = arith.cmpi slt, %add3A_110, %lt3A_111 : i32
      %convert_element_type3A_113 = arith.extui %lt3A_112 : i1 to i32
      %cond3A_114 = arith.constant 0 : i32
      %cond3A_115 = arith.cmpi ne, %convert_element_type3A_113, %cond3A_114 : i32
      scf.if %cond3A_115 {
        %add3A_116 = arith.constant 2 : i32
        %add3A_117 = arith.addi %add3A_102, %add3A_116 : i32
        %dma_start3A_118 = arith.constant 0 : i32
        %dma_start3A_119 = tpu.memref_slice %arg7[%add3A_117, %dma_start3A_118] : memref<40x128xi32, #tpu.memory_space<vmem>> -> memref<1x128xi32, #tpu.memory_space<vmem>>
        %dma_start3A_120 = tpu.memref_squeeze %dma_start3A_119 : memref<1x128xi32, #tpu.memory_space<vmem>> -> memref<128xi32, #tpu.memory_space<vmem>>
        %dma_start3A_121 = arith.constant 0 : i32
        %dma_start3A_122 = arith.constant 0 : i32
        %dma_start3A_123 = tpu.memref_slice %arg4[%dma_start3A_121, %dma_start3A_122] : memref<10240x128xf32, #tpu.memory_space<hbm>> -> memref<10240x128xf32, #tpu.memory_space<hbm>>
        tpu.enqueue_indirect_dma source(%dma_start3A_123 : memref<10240x128xf32, #tpu.memory_space<hbm>>) target(%arg10 : memref<128x128xf32, #tpu.memory_space<vmem>>) offsets(%dma_start3A_120 : memref<128xi32, #tpu.memory_space<vmem>>) semaphore(%arg12 : memref<!tpu.dma_semaphore, #tpu.memory_space<semaphore_mem>>)
      } else {
      }
    }
    %scan3A_52 = arith.constant 20 : i32
    %barrier3A_53 = arith.constant 0 : index
    tpu.barrier barrier_id(%barrier3A_53)
    %mul3A_54 = arith.constant 640 : i32
    %mul3A_55 = arith.muli %arg1, %mul3A_54 : i32
    %add3A_56 = arith.constant 0 : i32
    %add3A_57 = arith.addi %mul3A_55, %add3A_56 : i32
    "tpu.region"() ({
      %run_scoped3A = tpu.sem_alloc : memref<!tpu.dma_semaphore, #tpu.memory_space<semaphore_mem>>
      %dma_start3A_89 = arith.constant 0 : i32
      %dma_start3A_90 = tpu.memref_slice %arg13[%add3A_57, %dma_start3A_89] : memref<10240x128xf32, #tpu.memory_space<vmem_shared>> -> memref<128x128xf32, #tpu.memory_space<vmem_shared>>
      %dma_start3A_91 = arith.constant 0 : i32
      %dma_start3A_92 = tpu.memref_slice %arg13[%add3A_57, %dma_start3A_91] : memref<10240x128xf32, #tpu.memory_space<vmem_shared>> -> memref<128x128xf32, #tpu.memory_space<vmem_shared>>
      tpu.enqueue_dma source(%dma_start3A_92 : memref<128x128xf32, #tpu.memory_space<vmem_shared>>) target(%arg9 : memref<128x128xf32, #tpu.memory_space<vmem>>) target_semaphore(%run_scoped3A : memref<!tpu.dma_semaphore, #tpu.memory_space<semaphore_mem>>)
      %dma_wait3A = arith.constant 0 : i32
      %dma_wait3A_93 = tpu.memref_slice %arg13[%add3A_57, %dma_wait3A] : memref<10240x128xf32, #tpu.memory_space<vmem_shared>> -> memref<128x128xf32, #tpu.memory_space<vmem_shared>>
      %dma_wait3A_94 = arith.constant 0 : i32
      %dma_wait3A_95 = tpu.memref_slice %arg13[%add3A_57, %dma_wait3A_94] : memref<10240x128xf32, #tpu.memory_space<vmem_shared>> -> memref<128x128xf32, #tpu.memory_space<vmem_shared>>
      tpu.wait_dma2 semaphore(%run_scoped3A : memref<!tpu.dma_semaphore, #tpu.memory_space<semaphore_mem>>) src(%dma_wait3A_95 : memref<128x128xf32, #tpu.memory_space<vmem_shared>>) dst(%arg9 : memref<128x128xf32, #tpu.memory_space<vmem>>)
      tpu.yield
    }) : () -> ()
    %mul3A_58 = arith.constant 10240 : i32
    %mul3A_59 = arith.muli %arg0, %mul3A_58 : i32
    %add3A_60 = arith.addi %mul3A_59, %add3A_57 : i32
    "tpu.region"() ({
      %run_scoped3A = tpu.sem_alloc : memref<!tpu.dma_semaphore, #tpu.memory_space<semaphore_mem>>
      %dma_start3A_89 = arith.constant 0 : i32
      %dma_start3A_90 = tpu.memref_slice %arg6[%add3A_60, %dma_start3A_89] : memref<20480x128xf32, #tpu.memory_space<hbm>> -> memref<128x128xf32, #tpu.memory_space<hbm>>
      %dma_start3A_91 = arith.constant 0 : i32
      %dma_start3A_92 = tpu.memref_slice %arg6[%add3A_60, %dma_start3A_91] : memref<20480x128xf32, #tpu.memory_space<hbm>> -> memref<128x128xf32, #tpu.memory_space<hbm>>
      tpu.enqueue_dma source(%arg9 : memref<128x128xf32, #tpu.memory_space<vmem>>) target(%dma_start3A_92 : memref<128x128xf32, #tpu.memory_space<hbm>>) target_semaphore(%run_scoped3A : memref<!tpu.dma_semaphore, #tpu.memory_space<semaphore_mem>>)
      %dma_wait3A = arith.constant 0 : i32
      %dma_wait3A_93 = tpu.memref_slice %arg6[%add3A_60, %dma_wait3A] : memref<20480x128xf32, #tpu.memory_space<hbm>> -> memref<128x128xf32, #tpu.memory_space<hbm>>
      %dma_wait3A_94 = arith.constant 0 : i32
      %dma_wait3A_95 = tpu.memref_slice %arg6[%add3A_60, %dma_wait3A_94] : memref<20480x128xf32, #tpu.memory_space<hbm>> -> memref<128x128xf32, #tpu.memory_space<hbm>>
      tpu.wait_dma2 semaphore(%run_scoped3A : memref<!tpu.dma_semaphore, #tpu.memory_space<semaphore_mem>>) src(%arg9 : memref<128x128xf32, #tpu.memory_space<vmem>>) dst(%dma_wait3A_95 : memref<128x128xf32, #tpu.memory_space<hbm>>)
      tpu.yield
    }) : () -> ()
    %mul3A_61 = arith.constant 640 : i32
    %mul3A_62 = arith.muli %arg1, %mul3A_61 : i32
    %add3A_63 = arith.constant 128 : i32
    %add3A_64 = arith.addi %mul3A_62, %add3A_63 : i32
    "tpu.region"() ({
      %run_scoped3A = tpu.sem_alloc : memref<!tpu.dma_semaphore, #tpu.memory_space<semaphore_mem>>
      %dma_start3A_89 = arith.constant 0 : i32
      %dma_start3A_90 = tpu.memref_slice %arg13[%add3A_64, %dma_start3A_89] : memref<10240x128xf32, #tpu.memory_space<vmem_shared>> -> memref<128x128xf32, #tpu.memory_space<vmem_shared>>
      %dma_start3A_91 = arith.constant 0 : i32
      %dma_start3A_92 = tpu.memref_slice %arg13[%add3A_64, %dma_start3A_91] : memref<10240x128xf32, #tpu.memory_space<vmem_shared>> -> memref<128x128xf32, #tpu.memory_space<vmem_shared>>
      tpu.enqueue_dma source(%dma_start3A_92 : memref<128x128xf32, #tpu.memory_space<vmem_shared>>) target(%arg9 : memref<128x128xf32, #tpu.memory_space<vmem>>) target_semaphore(%run_scoped3A : memref<!tpu.dma_semaphore, #tpu.memory_space<semaphore_mem>>)
      %dma_wait3A = arith.constant 0 : i32
      %dma_wait3A_93 = tpu.memref_slice %arg13[%add3A_64, %dma_wait3A] : memref<10240x128xf32, #tpu.memory_space<vmem_shared>> -> memref<128x128xf32, #tpu.memory_space<vmem_shared>>
      %dma_wait3A_94 = arith.constant 0 : i32
      %dma_wait3A_95 = tpu.memref_slice %arg13[%add3A_64, %dma_wait3A_94] : memref<10240x128xf32, #tpu.memory_space<vmem_shared>> -> memref<128x128xf32, #tpu.memory_space<vmem_shared>>
      tpu.wait_dma2 semaphore(%run_scoped3A : memref<!tpu.dma_semaphore, #tpu.memory_space<semaphore_mem>>) src(%dma_wait3A_95 : memref<128x128xf32, #tpu.memory_space<vmem_shared>>) dst(%arg9 : memref<128x128xf32, #tpu.memory_space<vmem>>)
      tpu.yield
    }) : () -> ()
    %mul3A_65 = arith.constant 10240 : i32
    %mul3A_66 = arith.muli %arg0, %mul3A_65 : i32
    %add3A_67 = arith.addi %mul3A_66, %add3A_64 : i32
    "tpu.region"() ({
      %run_scoped3A = tpu.sem_alloc : memref<!tpu.dma_semaphore, #tpu.memory_space<semaphore_mem>>
      %dma_start3A_89 = arith.constant 0 : i32
      %dma_start3A_90 = tpu.memref_slice %arg6[%add3A_67, %dma_start3A_89] : memref<20480x128xf32, #tpu.memory_space<hbm>> -> memref<128x128xf32, #tpu.memory_space<hbm>>
      %dma_start3A_91 = arith.constant 0 : i32
      %dma_start3A_92 = tpu.memref_slice %arg6[%add3A_67, %dma_start3A_91] : memref<20480x128xf32, #tpu.memory_space<hbm>> -> memref<128x128xf32, #tpu.memory_space<hbm>>
      tpu.enqueue_dma source(%arg9 : memref<128x128xf32, #tpu.memory_space<vmem>>) target(%dma_start3A_92 : memref<128x128xf32, #tpu.memory_space<hbm>>) target_semaphore(%run_scoped3A : memref<!tpu.dma_semaphore, #tpu.memory_space<semaphore_mem>>)
      %dma_wait3A = arith.constant 0 : i32
      %dma_wait3A_93 = tpu.memref_slice %arg6[%add3A_67, %dma_wait3A] : memref<20480x128xf32, #tpu.memory_space<hbm>> -> memref<128x128xf32, #tpu.memory_space<hbm>>
      %dma_wait3A_94 = arith.constant 0 : i32
      %dma_wait3A_95 = tpu.memref_slice %arg6[%add3A_67, %dma_wait3A_94] : memref<20480x128xf32, #tpu.memory_space<hbm>> -> memref<128x128xf32, #tpu.memory_space<hbm>>
      tpu.wait_dma2 semaphore(%run_scoped3A : memref<!tpu.dma_semaphore, #tpu.memory_space<semaphore_mem>>) src(%arg9 : memref<128x128xf32, #tpu.memory_space<vmem>>) dst(%dma_wait3A_95 : memref<128x128xf32, #tpu.memory_space<hbm>>)
      tpu.yield
    }) : () -> ()
    %mul3A_68 = arith.constant 640 : i32
    %mul3A_69 = arith.muli %arg1, %mul3A_68 : i32
    %add3A_70 = arith.constant 256 : i32
    %add3A_71 = arith.addi %mul3A_69, %add3A_70 : i32
    "tpu.region"() ({
      %run_scoped3A = tpu.sem_alloc : memref<!tpu.dma_semaphore, #tpu.memory_space<semaphore_mem>>
      %dma_start3A_89 = arith.constant 0 : i32
      %dma_start3A_90 = tpu.memref_slice %arg13[%add3A_71, %dma_start3A_89] : memref<10240x128xf32, #tpu.memory_space<vmem_shared>> -> memref<128x128xf32, #tpu.memory_space<vmem_shared>>
      %dma_start3A_91 = arith.constant 0 : i32
      %dma_start3A_92 = tpu.memref_slice %arg13[%add3A_71, %dma_start3A_91] : memref<10240x128xf32, #tpu.memory_space<vmem_shared>> -> memref<128x128xf32, #tpu.memory_space<vmem_shared>>
      tpu.enqueue_dma source(%dma_start3A_92 : memref<128x128xf32, #tpu.memory_space<vmem_shared>>) target(%arg9 : memref<128x128xf32, #tpu.memory_space<vmem>>) target_semaphore(%run_scoped3A : memref<!tpu.dma_semaphore, #tpu.memory_space<semaphore_mem>>)
      %dma_wait3A = arith.constant 0 : i32
      %dma_wait3A_93 = tpu.memref_slice %arg13[%add3A_71, %dma_wait3A] : memref<10240x128xf32, #tpu.memory_space<vmem_shared>> -> memref<128x128xf32, #tpu.memory_space<vmem_shared>>
      %dma_wait3A_94 = arith.constant 0 : i32
      %dma_wait3A_95 = tpu.memref_slice %arg13[%add3A_71, %dma_wait3A_94] : memref<10240x128xf32, #tpu.memory_space<vmem_shared>> -> memref<128x128xf32, #tpu.memory_space<vmem_shared>>
      tpu.wait_dma2 semaphore(%run_scoped3A : memref<!tpu.dma_semaphore, #tpu.memory_space<semaphore_mem>>) src(%dma_wait3A_95 : memref<128x128xf32, #tpu.memory_space<vmem_shared>>) dst(%arg9 : memref<128x128xf32, #tpu.memory_space<vmem>>)
      tpu.yield
    }) : () -> ()
    %mul3A_72 = arith.constant 10240 : i32
    %mul3A_73 = arith.muli %arg0, %mul3A_72 : i32
    %add3A_74 = arith.addi %mul3A_73, %add3A_71 : i32
    "tpu.region"() ({
      %run_scoped3A = tpu.sem_alloc : memref<!tpu.dma_semaphore, #tpu.memory_space<semaphore_mem>>
      %dma_start3A_89 = arith.constant 0 : i32
      %dma_start3A_90 = tpu.memref_slice %arg6[%add3A_74, %dma_start3A_89] : memref<20480x128xf32, #tpu.memory_space<hbm>> -> memref<128x128xf32, #tpu.memory_space<hbm>>
      %dma_start3A_91 = arith.constant 0 : i32
      %dma_start3A_92 = tpu.memref_slice %arg6[%add3A_74, %dma_start3A_91] : memref<20480x128xf32, #tpu.memory_space<hbm>> -> memref<128x128xf32, #tpu.memory_space<hbm>>
      tpu.enqueue_dma source(%arg9 : memref<128x128xf32, #tpu.memory_space<vmem>>) target(%dma_start3A_92 : memref<128x128xf32, #tpu.memory_space<hbm>>) target_semaphore(%run_scoped3A : memref<!tpu.dma_semaphore, #tpu.memory_space<semaphore_mem>>)
      %dma_wait3A = arith.constant 0 : i32
      %dma_wait3A_93 = tpu.memref_slice %arg6[%add3A_74, %dma_wait3A] : memref<20480x128xf32, #tpu.memory_space<hbm>> -> memref<128x128xf32, #tpu.memory_space<hbm>>
      %dma_wait3A_94 = arith.constant 0 : i32
      %dma_wait3A_95 = tpu.memref_slice %arg6[%add3A_74, %dma_wait3A_94] : memref<20480x128xf32, #tpu.memory_space<hbm>> -> memref<128x128xf32, #tpu.memory_space<hbm>>
      tpu.wait_dma2 semaphore(%run_scoped3A : memref<!tpu.dma_semaphore, #tpu.memory_space<semaphore_mem>>) src(%arg9 : memref<128x128xf32, #tpu.memory_space<vmem>>) dst(%dma_wait3A_95 : memref<128x128xf32, #tpu.memory_space<hbm>>)
      tpu.yield
    }) : () -> ()
    %mul3A_75 = arith.constant 640 : i32
    %mul3A_76 = arith.muli %arg1, %mul3A_75 : i32
    %add3A_77 = arith.constant 384 : i32
    %add3A_78 = arith.addi %mul3A_76, %add3A_77 : i32
    "tpu.region"() ({
      %run_scoped3A = tpu.sem_alloc : memref<!tpu.dma_semaphore, #tpu.memory_space<semaphore_mem>>
      %dma_start3A_89 = arith.constant 0 : i32
      %dma_start3A_90 = tpu.memref_slice %arg13[%add3A_78, %dma_start3A_89] : memref<10240x128xf32, #tpu.memory_space<vmem_shared>> -> memref<128x128xf32, #tpu.memory_space<vmem_shared>>
      %dma_start3A_91 = arith.constant 0 : i32
      %dma_start3A_92 = tpu.memref_slice %arg13[%add3A_78, %dma_start3A_91] : memref<10240x128xf32, #tpu.memory_space<vmem_shared>> -> memref<128x128xf32, #tpu.memory_space<vmem_shared>>
      tpu.enqueue_dma source(%dma_start3A_92 : memref<128x128xf32, #tpu.memory_space<vmem_shared>>) target(%arg9 : memref<128x128xf32, #tpu.memory_space<vmem>>) target_semaphore(%run_scoped3A : memref<!tpu.dma_semaphore, #tpu.memory_space<semaphore_mem>>)
      %dma_wait3A = arith.constant 0 : i32
      %dma_wait3A_93 = tpu.memref_slice %arg13[%add3A_78, %dma_wait3A] : memref<10240x128xf32, #tpu.memory_space<vmem_shared>> -> memref<128x128xf32, #tpu.memory_space<vmem_shared>>
      %dma_wait3A_94 = arith.constant 0 : i32
      %dma_wait3A_95 = tpu.memref_slice %arg13[%add3A_78, %dma_wait3A_94] : memref<10240x128xf32, #tpu.memory_space<vmem_shared>> -> memref<128x128xf32, #tpu.memory_space<vmem_shared>>
      tpu.wait_dma2 semaphore(%run_scoped3A : memref<!tpu.dma_semaphore, #tpu.memory_space<semaphore_mem>>) src(%dma_wait3A_95 : memref<128x128xf32, #tpu.memory_space<vmem_shared>>) dst(%arg9 : memref<128x128xf32, #tpu.memory_space<vmem>>)
      tpu.yield
    }) : () -> ()
    %mul3A_79 = arith.constant 10240 : i32
    %mul3A_80 = arith.muli %arg0, %mul3A_79 : i32
    %add3A_81 = arith.addi %mul3A_80, %add3A_78 : i32
    "tpu.region"() ({
      %run_scoped3A = tpu.sem_alloc : memref<!tpu.dma_semaphore, #tpu.memory_space<semaphore_mem>>
      %dma_start3A_89 = arith.constant 0 : i32
      %dma_start3A_90 = tpu.memref_slice %arg6[%add3A_81, %dma_start3A_89] : memref<20480x128xf32, #tpu.memory_space<hbm>> -> memref<128x128xf32, #tpu.memory_space<hbm>>
      %dma_start3A_91 = arith.constant 0 : i32
      %dma_start3A_92 = tpu.memref_slice %arg6[%add3A_81, %dma_start3A_91] : memref<20480x128xf32, #tpu.memory_space<hbm>> -> memref<128x128xf32, #tpu.memory_space<hbm>>
      tpu.enqueue_dma source(%arg9 : memref<128x128xf32, #tpu.memory_space<vmem>>) target(%dma_start3A_92 : memref<128x128xf32, #tpu.memory_space<hbm>>) target_semaphore(%run_scoped3A : memref<!tpu.dma_semaphore, #tpu.memory_space<semaphore_mem>>)
      %dma_wait3A = arith.constant 0 : i32
      %dma_wait3A_93 = tpu.memref_slice %arg6[%add3A_81, %dma_wait3A] : memref<20480x128xf32, #tpu.memory_space<hbm>> -> memref<128x128xf32, #tpu.memory_space<hbm>>
      %dma_wait3A_94 = arith.constant 0 : i32
      %dma_wait3A_95 = tpu.memref_slice %arg6[%add3A_81, %dma_wait3A_94] : memref<20480x128xf32, #tpu.memory_space<hbm>> -> memref<128x128xf32, #tpu.memory_space<hbm>>
      tpu.wait_dma2 semaphore(%run_scoped3A : memref<!tpu.dma_semaphore, #tpu.memory_space<semaphore_mem>>) src(%arg9 : memref<128x128xf32, #tpu.memory_space<vmem>>) dst(%dma_wait3A_95 : memref<128x128xf32, #tpu.memory_space<hbm>>)
      tpu.yield
    }) : () -> ()
    %mul3A_82 = arith.constant 640 : i32
    %mul3A_83 = arith.muli %arg1, %mul3A_82 : i32
    %add3A_84 = arith.constant 512 : i32
    %add3A_85 = arith.addi %mul3A_83, %add3A_84 : i32
    "tpu.region"() ({
      %run_scoped3A = tpu.sem_alloc : memref<!tpu.dma_semaphore, #tpu.memory_space<semaphore_mem>>
      %dma_start3A_89 = arith.constant 0 : i32
      %dma_start3A_90 = tpu.memref_slice %arg13[%add3A_85, %dma_start3A_89] : memref<10240x128xf32, #tpu.memory_space<vmem_shared>> -> memref<128x128xf32, #tpu.memory_space<vmem_shared>>
      %dma_start3A_91 = arith.constant 0 : i32
      %dma_start3A_92 = tpu.memref_slice %arg13[%add3A_85, %dma_start3A_91] : memref<10240x128xf32, #tpu.memory_space<vmem_shared>> -> memref<128x128xf32, #tpu.memory_space<vmem_shared>>
      tpu.enqueue_dma source(%dma_start3A_92 : memref<128x128xf32, #tpu.memory_space<vmem_shared>>) target(%arg9 : memref<128x128xf32, #tpu.memory_space<vmem>>) target_semaphore(%run_scoped3A : memref<!tpu.dma_semaphore, #tpu.memory_space<semaphore_mem>>)
      %dma_wait3A = arith.constant 0 : i32
      %dma_wait3A_93 = tpu.memref_slice %arg13[%add3A_85, %dma_wait3A] : memref<10240x128xf32, #tpu.memory_space<vmem_shared>> -> memref<128x128xf32, #tpu.memory_space<vmem_shared>>
      %dma_wait3A_94 = arith.constant 0 : i32
      %dma_wait3A_95 = tpu.memref_slice %arg13[%add3A_85, %dma_wait3A_94] : memref<10240x128xf32, #tpu.memory_space<vmem_shared>> -> memref<128x128xf32, #tpu.memory_space<vmem_shared>>
      tpu.wait_dma2 semaphore(%run_scoped3A : memref<!tpu.dma_semaphore, #tpu.memory_space<semaphore_mem>>) src(%dma_wait3A_95 : memref<128x128xf32, #tpu.memory_space<vmem_shared>>) dst(%arg9 : memref<128x128xf32, #tpu.memory_space<vmem>>)
      tpu.yield
    }) : () -> ()
    %mul3A_86 = arith.constant 10240 : i32
    %mul3A_87 = arith.muli %arg0, %mul3A_86 : i32
    %add3A_88 = arith.addi %mul3A_87, %add3A_85 : i32
    "tpu.region"() ({
      %run_scoped3A = tpu.sem_alloc : memref<!tpu.dma_semaphore, #tpu.memory_space<semaphore_mem>>
      %dma_start3A_89 = arith.constant 0 : i32
      %dma_start3A_90 = tpu.memref_slice %arg6[%add3A_88, %dma_start3A_89] : memref<20480x128xf32, #tpu.memory_space<hbm>> -> memref<128x128xf32, #tpu.memory_space<hbm>>
      %dma_start3A_91 = arith.constant 0 : i32
      %dma_start3A_92 = tpu.memref_slice %arg6[%add3A_88, %dma_start3A_91] : memref<20480x128xf32, #tpu.memory_space<hbm>> -> memref<128x128xf32, #tpu.memory_space<hbm>>
      tpu.enqueue_dma source(%arg9 : memref<128x128xf32, #tpu.memory_space<vmem>>) target(%dma_start3A_92 : memref<128x128xf32, #tpu.memory_space<hbm>>) target_semaphore(%run_scoped3A : memref<!tpu.dma_semaphore, #tpu.memory_space<semaphore_mem>>)
      %dma_wait3A = arith.constant 0 : i32
      %dma_wait3A_93 = tpu.memref_slice %arg6[%add3A_88, %dma_wait3A] : memref<20480x128xf32, #tpu.memory_space<hbm>> -> memref<128x128xf32, #tpu.memory_space<hbm>>
      %dma_wait3A_94 = arith.constant 0 : i32
      %dma_wait3A_95 = tpu.memref_slice %arg6[%add3A_88, %dma_wait3A_94] : memref<20480x128xf32, #tpu.memory_space<hbm>> -> memref<128x128xf32, #tpu.memory_space<hbm>>
      tpu.wait_dma2 semaphore(%run_scoped3A : memref<!tpu.dma_semaphore, #tpu.memory_space<semaphore_mem>>) src(%arg9 : memref<128x128xf32, #tpu.memory_space<vmem>>) dst(%dma_wait3A_95 : memref<128x128xf32, #tpu.memory_space<hbm>>)
      tpu.yield
    }) : () -> ()
    return
  }
}

module attributes {stable_mosaic.version = 14 : i64} {
  func.func @body(%arg0: i32, %arg1: memref<2048x128xf32, #tpu.memory_space<vmem>>, %arg2: memref<128x128xf32, #tpu.memory_space<vmem>>, %arg3: memref<2048x128xf32, #tpu.memory_space<vmem>>) attributes {dimension_semantics = [#tpu.dimension_semantics<arbitrary>], iteration_bounds = array<i64: 5>, scalar_prefetch = 0 : i64, scratch_operands = 0 : i64, tpu.core_type = #tpu.core_type<tc>, window_params = [{transform_indices = @transform_0, window_bounds = array<i64: 2048, 128>}, {pipeline_mode = #tpu.pipeline_mode<synchronous>, transform_indices = @transform_1, window_bounds = array<i64: 128, 128>}, {transform_indices = @transform_2, window_bounds = array<i64: 2048, 128>}]} {
    %get3A = arith.constant 0 : index
    %get3A_0 = arith.constant 0 : index
    %get3A_1 = vector.load %arg1[%get3A, %get3A_0] : memref<2048x128xf32, #tpu.memory_space<vmem>>, vector<2048x128xf32>
    %get3A_2 = arith.constant 0 : index
    %get3A_3 = arith.constant 0 : index
    %get3A_4 = vector.load %arg2[%get3A_2, %get3A_3] : memref<128x128xf32, #tpu.memory_space<vmem>>, vector<128x128xf32>
    %dot_general3A = arith.constant dense<0.000000e+00> : vector<2048x128xf32>
    %dot_general3A_5 = tpu.matmul %get3A_1, %get3A_4, %dot_general3A {dimension_numbers = #tpu.dot_dimension_numbers<[1], [0], [0], [1], [0, 0, 1, 1], [], []>, transpose_lhs_hint = false} : vector<2048x128xf32>, vector<128x128xf32>, vector<2048x128xf32> -> vector<2048x128xf32>
    %swap3A = arith.constant 0 : index
    %swap3A_6 = arith.constant 0 : index
    %swap3A_7 = vector.load %arg3[%swap3A, %swap3A_6] : memref<2048x128xf32, #tpu.memory_space<vmem>>, vector<2048x128xf32>
    tpu.vector_store %arg3[%swap3A, %swap3A_6], %dot_general3A_5 {strides = array<i32>} : memref<2048x128xf32, #tpu.memory_space<vmem>>, vector<2048x128xf32>,
    return
  }
  func.func @transform_0(%arg0: i32) -> (i32, i32) {
    %c0_i32 = arith.constant 0 : i32
    %c0_i32_0 = arith.constant 0 : i32
    return %arg0, %c0_i32 : i32, i32
  }
  func.func @transform_1(%arg0: i32) -> (i32, i32) {
    %c0_i32 = arith.constant 0 : i32
    %c0_i32_0 = arith.constant 0 : i32
    %c0_i32_1 = arith.constant 0 : i32
    return %c0_i32, %c0_i32_0 : i32, i32
  }
  func.func @transform_2(%arg0: i32) -> (i32, i32) {
    %c0_i32 = arith.constant 0 : i32
    %c0_i32_0 = arith.constant 0 : i32
    return %arg0, %c0_i32 : i32, i32
  }
}

module attributes {stable_mosaic.version = 14 : i64} {
  func.func @body(%arg0: i32, %arg1: memref<2x2048x128xf32, #tpu.memory_space<vmem>>, %arg2: memref<128x128xf32, #tpu.memory_space<vmem>>, %arg3: memref<2048x128xf32, #tpu.memory_space<vmem>>) attributes {dimension_semantics = [#tpu.dimension_semantics<arbitrary>], iteration_bounds = array<i64: 5>, scalar_prefetch = 0 : i64, scratch_operands = 0 : i64, tpu.core_type = #tpu.core_type<tc>, window_params = [{transform_indices = @transform_0, window_bounds = array<i64: 2, 2048, 128>}, {pipeline_mode = #tpu.pipeline_mode<synchronous>, transform_indices = @transform_1, window_bounds = array<i64: 128, 128>}, {transform_indices = @transform_2, window_bounds = array<i64: 2048, 128>}]} {
    %get3A = arith.constant 0 : index
    %get3A_0 = arith.constant 0 : index
    %get3A_1 = arith.constant 0 : index
    %get3A_2 = vector.load %arg1[%get3A, %get3A_0, %get3A_1] : memref<2x2048x128xf32, #tpu.memory_space<vmem>>, vector<1x2048x128xf32>
    %get3A_3 = vector.shape_cast %get3A_2 : vector<1x2048x128xf32> to vector<2048x128xf32>
    %get3A_4 = arith.constant 1 : index
    %get3A_5 = arith.constant 0 : index
    %get3A_6 = arith.constant 0 : index
    %get3A_7 = vector.load %arg1[%get3A_4, %get3A_5, %get3A_6] : memref<2x2048x128xf32, #tpu.memory_space<vmem>>, vector<1x2048x128xf32>
    %get3A_8 = vector.shape_cast %get3A_7 : vector<1x2048x128xf32> to vector<2048x128xf32>
    %add3A = arith.addf %get3A_3, %get3A_8 : vector<2048x128xf32>
    %max3A = arith.constant 0.000000e+00 : f32
    %max3A_9 = vector.broadcast %max3A : f32 to vector<2048x128xf32>
    %max3A_10 = arith.maximumf %add3A, %max3A_9 : vector<2048x128xf32>
    %get3A_11 = arith.constant 0 : index
    %get3A_12 = arith.constant 0 : index
    %get3A_13 = vector.load %arg2[%get3A_11, %get3A_12] : memref<128x128xf32, #tpu.memory_space<vmem>>, vector<128x128xf32>
    %dot_general3A = arith.constant dense<0.000000e+00> : vector<2048x128xf32>
    %dot_general3A_14 = tpu.matmul %max3A_10, %get3A_13, %dot_general3A {dimension_numbers = #tpu.dot_dimension_numbers<[1], [0], [0], [1], [0, 0, 1, 1], [], []>, transpose_lhs_hint = false} : vector<2048x128xf32>, vector<128x128xf32>, vector<2048x128xf32> -> vector<2048x128xf32>
    %swap3A = arith.constant 0 : index
    %swap3A_15 = arith.constant 0 : index
    %swap3A_16 = vector.load %arg3[%swap3A, %swap3A_15] : memref<2048x128xf32, #tpu.memory_space<vmem>>, vector<2048x128xf32>
    tpu.vector_store %arg3[%swap3A, %swap3A_15], %dot_general3A_14 {strides = array<i32>} : memref<2048x128xf32, #tpu.memory_space<vmem>>, vector<2048x128xf32>,
    return
  }
  func.func @transform_0(%arg0: i32) -> (i32, i32, i32) {
    %c0_i32 = arith.constant 0 : i32
    %c0_i32_0 = arith.constant 0 : i32
    %c0_i32_1 = arith.constant 0 : i32
    return %c0_i32, %arg0, %c0_i32_0 : i32, i32, i32
  }
  func.func @transform_1(%arg0: i32) -> (i32, i32) {
    %c0_i32 = arith.constant 0 : i32
    %c0_i32_0 = arith.constant 0 : i32
    %c0_i32_1 = arith.constant 0 : i32
    return %c0_i32, %c0_i32_0 : i32, i32
  }
  func.func @transform_2(%arg0: i32) -> (i32, i32) {
    %c0_i32 = arith.constant 0 : i32
    %c0_i32_0 = arith.constant 0 : i32
    return %arg0, %c0_i32 : i32, i32
  }
}

module attributes {stable_mosaic.version = 14 : i64} {
  func.func @body(%arg0: i32, %arg1: memref<2x2048x128xf32, #tpu.memory_space<vmem>>, %arg2: memref<2048x128xf32, #tpu.memory_space<vmem>>, %arg3: memref<128x128xf32, #tpu.memory_space<vmem>>, %arg4: memref<128x128xf32, #tpu.memory_space<vmem>>, %arg5: memref<384x128xf32, #tpu.memory_space<vmem>>, %arg6: memref<384x128xf32, #tpu.memory_space<vmem>>, %arg7: memref<384xf32, #tpu.memory_space<vmem>>, %arg8: memref<384xf32, #tpu.memory_space<vmem>>, %arg9: memref<2048x128xf32, #tpu.memory_space<vmem>>, %arg10: memref<2048x128xf32, #tpu.memory_space<vmem>>) attributes {dimension_semantics = [#tpu.dimension_semantics<arbitrary>], iteration_bounds = array<i64: 5>, scalar_prefetch = 0 : i64, scratch_operands = 0 : i64, tpu.core_type = #tpu.core_type<tc>, window_params = [{transform_indices = @transform_0, window_bounds = array<i64: 2, 2048, 128>}, {transform_indices = @transform_1, window_bounds = array<i64: 2048, 128>}, {pipeline_mode = #tpu.pipeline_mode<synchronous>, transform_indices = @transform_2, window_bounds = array<i64: 128, 128>}, {pipeline_mode = #tpu.pipeline_mode<synchronous>, transform_indices = @transform_3, window_bounds = array<i64: 128, 128>}, {pipeline_mode = #tpu.pipeline_mode<synchronous>, transform_indices = @transform_4, window_bounds = array<i64: 384, 128>}, {pipeline_mode = #tpu.pipeline_mode<synchronous>, transform_indices = @transform_5, window_bounds = array<i64: 384, 128>}, {pipeline_mode = #tpu.pipeline_mode<synchronous>, transform_indices = @transform_6, window_bounds = array<i64: 384>}, {pipeline_mode = #tpu.pipeline_mode<synchronous>, transform_indices = @transform_7, window_bounds = array<i64: 384>}, {transform_indices = @transform_8, window_bounds = array<i64: 2048, 128>}, {transform_indices = @transform_9, window_bounds = array<i64: 2048, 128>}]} {
    %get3A = arith.constant 0 : index
    %get3A_0 = arith.constant 0 : index
    %get3A_1 = arith.constant 0 : index
    %get3A_2 = vector.load %arg1[%get3A, %get3A_0, %get3A_1] : memref<2x2048x128xf32, #tpu.memory_space<vmem>>, vector<1x2048x128xf32>
    %get3A_3 = vector.shape_cast %get3A_2 : vector<1x2048x128xf32> to vector<2048x128xf32>
    %get3A_4 = arith.constant 1 : index
    %get3A_5 = arith.constant 0 : index
    %get3A_6 = arith.constant 0 : index
    %get3A_7 = vector.load %arg1[%get3A_4, %get3A_5, %get3A_6] : memref<2x2048x128xf32, #tpu.memory_space<vmem>>, vector<1x2048x128xf32>
    %get3A_8 = vector.shape_cast %get3A_7 : vector<1x2048x128xf32> to vector<2048x128xf32>
    %add3A = arith.addf %get3A_3, %get3A_8 : vector<2048x128xf32>
    %max3A = arith.constant 0.000000e+00 : f32
    %max3A_9 = vector.broadcast %max3A : f32 to vector<2048x128xf32>
    %max3A_10 = arith.maximumf %add3A, %max3A_9 : vector<2048x128xf32>
    %get3A_11 = arith.constant 0 : index
    %get3A_12 = arith.constant 0 : index
    %get3A_13 = vector.load %arg4[%get3A_11, %get3A_12] : memref<128x128xf32, #tpu.memory_space<vmem>>, vector<128x128xf32>
    %dot_general3A = arith.constant dense<0.000000e+00> : vector<2048x128xf32>
    %dot_general3A_14 = tpu.matmul %max3A_10, %get3A_13, %dot_general3A {dimension_numbers = #tpu.dot_dimension_numbers<[1], [0], [0], [1], [0, 0, 1, 1], [], []>, transpose_lhs_hint = false} : vector<2048x128xf32>, vector<128x128xf32>, vector<2048x128xf32> -> vector<2048x128xf32>
    %max3A_15 = arith.constant 0.000000e+00 : f32
    %max3A_16 = vector.broadcast %max3A_15 : f32 to vector<2048x128xf32>
    %max3A_17 = arith.maximumf %dot_general3A_14, %max3A_16 : vector<2048x128xf32>
    %get3A_18 = arith.constant 0 : index
    %get3A_19 = arith.constant 0 : index
    %get3A_20 = vector.load %arg2[%get3A_18, %get3A_19] : memref<2048x128xf32, #tpu.memory_space<vmem>>, vector<2048x128xf32>
    %get3A_21 = arith.constant 0 : index
    %get3A_22 = arith.constant 0 : index
    %get3A_23 = vector.load %arg5[%get3A_21, %get3A_22] : memref<384x128xf32, #tpu.memory_space<vmem>>, vector<384x128xf32>
    %dot_general3A_24 = arith.constant dense<0.000000e+00> : vector<2048x384xf32>
    %dot_general3A_25 = tpu.matmul %max3A_17, %get3A_23, %dot_general3A_24 {dimension_numbers = #tpu.dot_dimension_numbers<[1], [1], [0], [0], [0, 0, 1, 0], [], []>, transpose_lhs_hint = false} : vector<2048x128xf32>, vector<384x128xf32>, vector<2048x384xf32> -> vector<2048x384xf32>
    %get3A_26 = arith.constant 0 : index
    %get3A_27 = vector.load %arg7[%get3A_26] : memref<384xf32, #tpu.memory_space<vmem>>, vector<384xf32>
    %broadcast_in_dim3A = vector.shape_cast %get3A_27 : vector<384xf32> to vector<1x384xf32>
    %add3A_28 = vector.broadcast %broadcast_in_dim3A : vector<1x384xf32> to vector<2048x384xf32>
    %add3A_29 = arith.addf %dot_general3A_25, %add3A_28 : vector<2048x384xf32>
    %get3A_30 = arith.constant 0 : index
    %get3A_31 = arith.constant 0 : index
    %get3A_32 = vector.load %arg6[%get3A_30, %get3A_31] : memref<384x128xf32, #tpu.memory_space<vmem>>, vector<384x128xf32>
    %dot_general3A_33 = arith.constant dense<0.000000e+00> : vector<2048x384xf32>
    %dot_general3A_34 = tpu.matmul %get3A_20, %get3A_32, %dot_general3A_33 {dimension_numbers = #tpu.dot_dimension_numbers<[1], [1], [0], [0], [0, 0, 1, 0], [], []>, transpose_lhs_hint = false} : vector<2048x128xf32>, vector<384x128xf32>, vector<2048x384xf32> -> vector<2048x384xf32>
    %get3A_35 = arith.constant 0 : index
    %get3A_36 = vector.load %arg8[%get3A_35] : memref<384xf32, #tpu.memory_space<vmem>>, vector<384xf32>
    %broadcast_in_dim3A_37 = vector.shape_cast %get3A_36 : vector<384xf32> to vector<1x384xf32>
    %add3A_38 = vector.broadcast %broadcast_in_dim3A_37 : vector<1x384xf32> to vector<2048x384xf32>
    %add3A_39 = arith.addf %dot_general3A_34, %add3A_38 : vector<2048x384xf32>
    %slice3A = vector.extract_strided_slice %add3A_29 {offsets = [0, 0], sizes = [2048, 128], strides = [1, 1]} : vector<2048x384xf32> to vector<2048x128xf32>
    %slice3A_40 = vector.extract_strided_slice %add3A_39 {offsets = [0, 0], sizes = [2048, 128], strides = [1, 1]} : vector<2048x384xf32> to vector<2048x128xf32>
    %add3A_41 = arith.addf %slice3A, %slice3A_40 : vector<2048x128xf32>
    %logistic3A = arith.negf %add3A_41 : vector<2048x128xf32>
    %logistic3A_42 = math.exp %logistic3A : vector<2048x128xf32>
    %logistic3A_43 = arith.constant 1.000000e+00 : f32
    %logistic3A_44 = vector.broadcast %logistic3A_43 : f32 to vector<2048x128xf32>
    %logistic3A_45 = arith.addf %logistic3A_44, %logistic3A_42 : vector<2048x128xf32>
    %logistic3A_46 = arith.divf %logistic3A_44, %logistic3A_45 : vector<2048x128xf32>
    %slice3A_47 = vector.extract_strided_slice %add3A_29 {offsets = [0, 128], sizes = [2048, 128], strides = [1, 1]} : vector<2048x384xf32> to vector<2048x128xf32>
    %slice3A_48 = vector.extract_strided_slice %add3A_39 {offsets = [0, 128], sizes = [2048, 128], strides = [1, 1]} : vector<2048x384xf32> to vector<2048x128xf32>
    %add3A_49 = arith.addf %slice3A_47, %slice3A_48 : vector<2048x128xf32>
    %logistic3A_50 = arith.negf %add3A_49 : vector<2048x128xf32>
    %logistic3A_51 = math.exp %logistic3A_50 : vector<2048x128xf32>
    %logistic3A_52 = arith.constant 1.000000e+00 : f32
    %logistic3A_53 = vector.broadcast %logistic3A_52 : f32 to vector<2048x128xf32>
    %logistic3A_54 = arith.addf %logistic3A_53, %logistic3A_51 : vector<2048x128xf32>
    %logistic3A_55 = arith.divf %logistic3A_53, %logistic3A_54 : vector<2048x128xf32>
    %slice3A_56 = vector.extract_strided_slice %add3A_29 {offsets = [0, 256], sizes = [2048, 128], strides = [1, 1]} : vector<2048x384xf32> to vector<2048x128xf32>
    %slice3A_57 = vector.extract_strided_slice %add3A_39 {offsets = [0, 256], sizes = [2048, 128], strides = [1, 1]} : vector<2048x384xf32> to vector<2048x128xf32>
    %mul3A = arith.mulf %logistic3A_46, %slice3A_57 : vector<2048x128xf32>
    %add3A_58 = arith.addf %slice3A_56, %mul3A : vector<2048x128xf32>
    %tanh3A = math.tanh %add3A_58 : vector<2048x128xf32>
    %sub3A = arith.constant 1.000000e+00 : f32
    %sub3A_59 = vector.broadcast %sub3A : f32 to vector<2048x128xf32>
    %sub3A_60 = arith.subf %sub3A_59, %logistic3A_55 : vector<2048x128xf32>
    %mul3A_61 = arith.mulf %sub3A_60, %tanh3A : vector<2048x128xf32>
    %mul3A_62 = arith.mulf %logistic3A_55, %get3A_20 : vector<2048x128xf32>
    %add3A_63 = arith.addf %mul3A_61, %mul3A_62 : vector<2048x128xf32>
    %mul3A_64 = arith.constant 2048 : i32
    %mul3A_65 = arith.muli %arg0, %mul3A_64 : i32
    %iota3A = tpu.iota {dimensions = array<i32: 0>} : vector<2048x1xi32>
    %add3A_66 = vector.broadcast %mul3A_65 : i32 to vector<2048x1xi32>
    %add3A_67 = arith.addi %add3A_66, %iota3A : vector<2048x1xi32>
    %lt3A = arith.constant 10000 : i32
    %lt3A_68 = vector.broadcast %lt3A : i32 to vector<2048x1xi32>
    %lt3A_69 = arith.cmpi slt, %add3A_67, %lt3A_68 : vector<2048x1xi32>
    %jit3A = arith.constant 0.000000e+00 : f32
    %broadcast_in_dim3A_70 = vector.shape_cast %lt3A_69 : vector<2048x1xi1> to vector<2048x1xi1>
    %broadcast_in_dim3A_71 = vector.broadcast %broadcast_in_dim3A_70 : vector<2048x1xi1> to vector<2048x128xi1>
    %broadcast_in_dim3A_72 = vector.broadcast %jit3A : f32 to vector<2048x128xf32>
    %select_n3A = arith.select %broadcast_in_dim3A_71, %add3A_63, %broadcast_in_dim3A_72 : vector<2048x128xi1>, vector<2048x128xf32>
    %swap3A = arith.constant 0 : index
    %swap3A_73 = arith.constant 0 : index
    %swap3A_74 = vector.load %arg9[%swap3A, %swap3A_73] : memref<2048x128xf32, #tpu.memory_space<vmem>>, vector<2048x128xf32>
    tpu.vector_store %arg9[%swap3A, %swap3A_73], %select_n3A {strides = array<i32>} : memref<2048x128xf32, #tpu.memory_space<vmem>>, vector<2048x128xf32>,
    %get3A_75 = arith.constant 0 : index
    %get3A_76 = arith.constant 0 : index
    %get3A_77 = vector.load %arg3[%get3A_75, %get3A_76] : memref<128x128xf32, #tpu.memory_space<vmem>>, vector<128x128xf32>
    %dot_general3A_78 = arith.constant dense<0.000000e+00> : vector<2048x128xf32>
    %dot_general3A_79 = tpu.matmul %select_n3A, %get3A_77, %dot_general3A_78 {dimension_numbers = #tpu.dot_dimension_numbers<[1], [0], [0], [1], [0, 0, 1, 1], [], []>, transpose_lhs_hint = false} : vector<2048x128xf32>, vector<128x128xf32>, vector<2048x128xf32> -> vector<2048x128xf32>
    %swap3A_80 = arith.constant 0 : index
    %swap3A_81 = arith.constant 0 : index
    %swap3A_82 = vector.load %arg10[%swap3A_80, %swap3A_81] : memref<2048x128xf32, #tpu.memory_space<vmem>>, vector<2048x128xf32>
    tpu.vector_store %arg10[%swap3A_80, %swap3A_81], %dot_general3A_79 {strides = array<i32>} : memref<2048x128xf32, #tpu.memory_space<vmem>>, vector<2048x128xf32>,
    return
  }
  func.func @transform_0(%arg0: i32) -> (i32, i32, i32) {
    %c0_i32 = arith.constant 0 : i32
    %c0_i32_0 = arith.constant 0 : i32
    %c0_i32_1 = arith.constant 0 : i32
    return %c0_i32, %arg0, %c0_i32_0 : i32, i32, i32
  }
  func.func @transform_1(%arg0: i32) -> (i32, i32) {
    %c0_i32 = arith.constant 0 : i32
    %c0_i32_0 = arith.constant 0 : i32
    return %arg0, %c0_i32 : i32, i32
  }
  func.func @transform_2(%arg0: i32) -> (i32, i32) {
    %c0_i32 = arith.constant 0 : i32
    %c0_i32_0 = arith.constant 0 : i32
    %c0_i32_1 = arith.constant 0 : i32
    return %c0_i32, %c0_i32_0 : i32, i32
  }
  func.func @transform_3(%arg0: i32) -> (i32, i32) {
    %c0_i32 = arith.constant 0 : i32
    %c0_i32_0 = arith.constant 0 : i32
    %c0_i32_1 = arith.constant 0 : i32
    return %c0_i32, %c0_i32_0 : i32, i32
  }
  func.func @transform_4(%arg0: i32) -> (i32, i32) {
    %c0_i32 = arith.constant 0 : i32
    %c0_i32_0 = arith.constant 0 : i32
    %c0_i32_1 = arith.constant 0 : i32
    return %c0_i32, %c0_i32_0 : i32, i32
  }
  func.func @transform_5(%arg0: i32) -> (i32, i32) {
    %c0_i32 = arith.constant 0 : i32
    %c0_i32_0 = arith.constant 0 : i32
    %c0_i32_1 = arith.constant 0 : i32
    return %c0_i32, %c0_i32_0 : i32, i32
  }
  func.func @transform_6(%arg0: i32) -> i32 {
    %c0_i32 = arith.constant 0 : i32
    %c0_i32_0 = arith.constant 0 : i32
    return %c0_i32 : i32
  }
  func.func @transform_7(%arg0: i32) -> i32 {
    %c0_i32 = arith.constant 0 : i32
    %c0_i32_0 = arith.constant 0 : i32
    return %c0_i32 : i32
  }
  func.func @transform_8(%arg0: i32) -> (i32, i32) {
    %c0_i32 = arith.constant 0 : i32
    %c0_i32_0 = arith.constant 0 : i32
    return %arg0, %c0_i32 : i32, i32
  }
  func.func @transform_9(%arg0: i32) -> (i32, i32) {
    %c0_i32 = arith.constant 0 : i32
    %c0_i32_0 = arith.constant 0 : i32
    return %arg0, %c0_i32 : i32, i32
  }
}

module attributes {stable_mosaic.version = 14 : i64} {
  func.func @body(%arg0: memref<10240x128xf32, #tpu.memory_space<vmem>>, %arg1: memref<128xf32, #tpu.memory_space<vmem>>, %arg2: memref<10240x128xf32, #tpu.memory_space<vmem>>) attributes {dimension_semantics = [], scalar_prefetch = 0 : i64, scratch_operands = 0 : i64, tpu.core_type = #tpu.core_type<tc>} {
    %get3A = arith.constant 0 : index
    %get3A_0 = arith.constant 0 : index
    %get3A_1 = vector.load %arg0[%get3A, %get3A_0] : memref<10240x128xf32, #tpu.memory_space<vmem>>, vector<10240x128xf32>
    %get3A_2 = arith.constant 0 : index
    %get3A_3 = vector.load %arg1[%get3A_2] : memref<128xf32, #tpu.memory_space<vmem>>, vector<128xf32>
    %broadcast_in_dim3A = vector.shape_cast %get3A_3 : vector<128xf32> to vector<128x1xf32>
    %dot_general3A = arith.constant dense<0.000000e+00> : vector<10240x1xf32>
    %dot_general3A_4 = tpu.matmul %get3A_1, %broadcast_in_dim3A, %dot_general3A {dimension_numbers = #tpu.dot_dimension_numbers<[1], [0], [0], [1], [0, 0, 1, 1], [], []>, transpose_lhs_hint = false} : vector<10240x128xf32>, vector<128x1xf32>, vector<10240x1xf32> -> vector<10240x1xf32>
    %broadcast_in_dim3A_5 = vector.shape_cast %dot_general3A_4 : vector<10240x1xf32> to vector<10240x1xf32>
    %broadcast_in_dim3A_6 = vector.broadcast %broadcast_in_dim3A_5 : vector<10240x1xf32> to vector<10240x128xf32>
    %swap3A = arith.constant 0 : index
    %swap3A_7 = arith.constant 0 : index
    %swap3A_8 = vector.load %arg2[%swap3A, %swap3A_7] : memref<10240x128xf32, #tpu.memory_space<vmem>>, vector<10240x128xf32>
    tpu.vector_store %arg2[%swap3A, %swap3A_7], %broadcast_in_dim3A_6 {strides = array<i32>} : memref<10240x128xf32, #tpu.memory_space<vmem>>, vector<10240x128xf32>,
    return
  }
}

</mosaic_0001>

<sc_bundles>
// kernel: body.14.cloned.1.call-start
scs
__scs_entry_jumppad:
0x0: {  	(pc) =	sbr.rel $0x88, $3  }
0x1: {  	(tag) =	ssettag $0x0;
	lr =	simm.s32 $0x1  }
0x2: {  	[smem:$0x3F96] =	sst lr;
	_ =	strace $0xD0000000  }
0x3: {  	_ = 	snop  }
0x4: {  	_ = 	snop  }
0x5: {  	_ = 	snop  }
0x6: {  	_ = 	snop  }
0x7: {  	_ = 	snop  }
__scs_overlays_trampoline_lowered:
0x8: {  	[smem:$0x3FA5] =	sst s0  }
0x9: {  	[smem:$0x3FA6] =	sst s1  }
0xa: {  	[smem:$0x3FA7] =	sst s2  }
0xb: {  	[smem:$0x3FA8] =	sst s3  }
0xc: {  	[smem:$0x3FA9] =	sst s4  }
0xd: {  	[smem:$0x3FAA] =	sst s5  }
0xe: {  	[smem:$0x3FAB] =	sst s6  }
0xf: {  	[smem:$0x3FAC] =	sst s7  }
0x10: {  	[smem:$0x3FAD] =	sst s8  }
0x11: {  	[smem:$0x3FAE] =	sst s9;
	s0 =	simm.s32 @!p0 $0x0  }
0x12: {  	s1 =	sld [smem:$0x3F94];
	s0 =	simm.s32 @p0 $0x1  }
0x13: {  	[smem:$0x3FAF] =	sst s0;
	s0 =	simm.s32 @!p1 $0x0  }
0x14: {  	s2 =	sld [smem:$0x3F93];
	s0 =	simm.s32 @p1 $0x1  }
0x15: {  	[smem:$0x3FB0] =	sst s0;
	s0 =	simm.s32 @!p2 $0x0  }
0x16: {  	s3 =	sld [smem:$0x3FDB];
	s0 =	simm.s32 @p2 $0x1  }
0x17: {  	s4 =	simm.s32 $0x1BF5;
	[smem:$0x3FB2] =	sst s0  }
0x18: {  	s0 =	sld [smem:$0x3F95];
	_ =	swait.ge [sflag:s4], $0x0  }
0x19: {  	s7 =	sld [smem:$0x3F96]  }
0x1a: {  	s8 =	sadd.s32 $0xFFFFE003, lr  }
0x1b: {  	s9 =	sadd.s32 $0xFFFFFEF7, lr;
	s5 =	simm.s32 $0xFFFFFFFF;
	p2 =	slt.u32 s8, $0xFFFFF086  }
0x1c: {  	p1 =	slt.u32 s9, $0xF7A;
	s5 =	simm.s32 @!p2 $0x0  }
0x1d: {  	s5 =	simm.s32 @p1 $0x1;
	p0 =	seq.s32 s7, s2  }
0x1e: {  	s7 =	smul.u32 @!p0 $0xF7A, s2;
	p2 =	seq.s32 @!p0 s5, $0x0  }
0x1f: {  	s9 =	smul.u32 $0xF7A, s1;
	s8 =	simm.s32 @!p0 $0x1BF5;
	p2 =	por !p2, p0  }
0x20: {  	[sflag:s8] =	ssyncset.s32 @!p0 $0xFFFFF086;
	s6 =	sadd.s32 @!p0 s3, s7;
	s7 =	simm.s32 @!p0 $0x108  }
0x21: {  	s3 =	sadd.s32 s3, s9;
	s6 =	sadd.s32 @!p0 $0x88, s6;
	s7 =	simm.s32 @p2 $0x1082  }
0x22: {  	[simem:s7], [sflag:s8] =	dma.local @!p0 [hbm:s6], $0xF7A  }
0x23: {  	s9 =	sor.u32 $0xD0000000, s2;
	s6 =	simm.s32 $0x108;
	_ =	swait.ge @!p0 [sflag:s8], $0x0  }
0x24: {  	s3 =	sadd.s32 $0x88, s3;
	s6 =	simm.s32 @!p1 $0x1082;
	[sflag:s4] =	ssyncset.s32 $0xFFFFF086  }
0x25: {  	[simem:s6], [sflag:s4] =	dma.local [hbm:s3], $0xF7A  }
0x26: {  	[smem:$0x3F96] =	sst s1;
	(tag) =	ssettag s2;
	_ =	strace s9  }
0x27: {  	s1 =	sld [smem:$0x3FA6]  }
0x28: {  	s2 =	sld [smem:$0x3FA7]  }
0x29: {  	s4 =	sld [smem:$0x3FA9]  }
0x2a: {  	p0 =	seq.s32 s5, $0x0;
	s5 =	sld [smem:$0x3FAA]  }
0x2b: {  	s6 =	sld [smem:$0x3FAB]  }
0x2c: {  	s7 =	sld [smem:$0x3FAC]  }
0x2d: {  	s3 =	simm.s32 $0x108;
	s8 =	sld [smem:$0x3FAD]  }
0x2e: {  	s3 =	simm.s32 @!p0 $0x1082;
	s9 =	sld [smem:$0x3FAE]  }
0x2f: {  	lr =	sadd.s32 s0, s3;
	s0 =	sld [smem:$0x3FA5]  }
0x30: {  	s3 =	sld [smem:$0x3FA8]  }
0x31: {  	[smem:$0x3FB1] =	sst s10  }
0x32: {  	s10 =	sld [smem:$0x3FAF];
	_ =	sdelay $0x3  }
0x33: {  	p0 =	seq.s32 s10, $0x1;
	s10 =	sld [smem:$0x3FB1];
	_ =	sdelay $0x3  }
0x34: {  	[smem:$0x3FB1] =	sst s10  }
0x35: {  	s10 =	sld [smem:$0x3FB0];
	_ =	sdelay $0x3  }
0x36: {  	p1 =	seq.s32 s10, $0x1;
	s10 =	sld [smem:$0x3FB1];
	_ =	sdelay $0x3  }
0x37: {  	[smem:$0x3FB1] =	sst s10  }
0x38: {  	s10 =	sld [smem:$0x3FB2]  }
0x39: {  	_ = 	snop;
	(pc) =	sbr.ind lr, $3  }
0x3a: {  	_ = 	snop  }
0x3b: {  	_ = 	snop  }
0x3c: {  	p2 =	seq.s32 s10, $0x1;
	s10 =	sld [smem:$0x3FB1]  }
0x3d: {  	_ =	shalt  }
0x3e: {  	_ =	shalt  }
0x3f: {  	_ =	shalt  }
0x40: {  	_ =	shalt  }
0x41: {  	_ =	shalt  }
0x42: {  	_ =	shalt  }
0x43: {  	_ =	shalt  }
0x44: {  	_ =	shalt  }
0x45: {  	_ =	shalt  }
0x46: {  	_ =	shalt  }
0x47: {  	_ =	shalt  }
0x48: {  	_ =	shalt  }
0x49: {  	_ =	shalt  }
0x4a: {  	_ =	shalt  }
0x4b: {  	_ =	shalt  }
0x4c: {  	_ =	shalt  }
0x4d: {  	_ =	shalt  }
0x4e: {  	_ =	shalt  }
0x4f: {  	_ =	shalt  }
0x50: {  	_ =	shalt  }
0x51: {  	_ =	shalt  }
0x52: {  	_ =	shalt  }
0x53: {  	_ =	shalt  }
0x54: {  	_ =	shalt  }
0x55: {  	_ =	shalt  }
0x56: {  	_ =	shalt  }
0x57: {  	_ =	shalt  }
0x58: {  	_ =	shalt  }
0x59: {  	_ =	shalt  }
0x5a: {  	_ =	shalt  }
0x5b: {  	_ =	shalt  }
0x5c: {  	_ =	shalt  }
0x5d: {  	_ =	shalt  }
0x5e: {  	_ =	shalt  }
0x5f: {  	_ =	shalt  }
0x60: {  	_ =	shalt  }
0x61: {  	_ =	shalt  }
0x62: {  	_ =	shalt  }
0x63: {  	_ =	shalt  }
0x64: {  	_ =	shalt  }
0x65: {  	_ =	shalt  }
0x66: {  	_ =	shalt  }
0x67: {  	_ =	shalt  }
0x68: {  	_ =	shalt  }
0x69: {  	_ =	shalt  }
0x6a: {  	_ =	shalt  }
0x6b: {  	_ =	shalt  }
0x6c: {  	_ =	shalt  }
0x6d: {  	_ =	shalt  }
0x6e: {  	_ =	shalt  }
0x6f: {  	_ =	shalt  }
0x70: {  	_ =	shalt  }
0x71: {  	_ =	shalt  }
0x72: {  	_ =	shalt  }
0x73: {  	_ =	shalt  }
0x74: {  	_ =	shalt  }
0x75: {  	_ =	shalt  }
0x76: {  	_ =	shalt  }
0x77: {  	_ =	shalt  }
0x78: {  	_ =	shalt  }
0x79: {  	_ =	shalt  }
0x7a: {  	_ =	shalt  }
0x7b: {  	_ =	shalt  }
0x7c: {  	_ =	shalt  }
0x7d: {  	_ =	shalt  }
0x7e: {  	_ =	shalt  }
0x7f: {  	_ =	shalt  }
0x80: {  	_ =	shalt  }
0x81: {  	_ =	shalt  }
0x82: {  	_ =	shalt  }
0x83: {  	_ =	shalt  }
0x84: {  	_ =	shalt  }
0x85: {  	_ =	shalt  }
0x86: {  	_ =	shalt  }
0x87: {  	_ =	shalt  }
.Lfunc_end0:
.L_simem_size_0:
called_computation_lowered:
.L_overlay_start_0:
0x88: {  	s2 =	sld [smem:$0x3FD9]  }
0x89: {  	s3 =	sld [smem:$0x3FFE];
	_ =	sdelay $0x1  }
0x8a: {  	s1 =	srdreg.scid  }
0x8b: {  	s0 =	sand.u32 $0x1, s1  }
0x8c: {  	s16 =	sshll.u32 s0, $0xA;
	s2 =	sadd.s32 s3, s2  }
0x8d: {  	s2 =	sadd.s32 s2, s16  }
0x8e: {  	[smem:$0x3FBD] =	sst s2  }
0x8f: {  	_ = 	snop  }
0x90: {  	(tm) =	ssettm $0x1  }
0x91: {  	s17 =	sld [smem:$0x3FFB];
	_ =	sdelay $0x3  }
0x92: {  	_ =	strace s17  }
0x93: {  	s2 =	sld [smem:$0x3FFC];
	_ =	sdelay $0x3  }
0x94: {  	_ =	strace s2  }
0x95: {  	s2 =	sld [smem:$0x3FFD];
	_ =	sdelay $0x3  }
0x96: {  	_ =	strace s2  }
0x97: {  	_ =	strace $0x8FFFFFFF  }
0x98: {  	s18 =	sld [smem:$0x3FDB];
	_ =	sdelay $0x1  }
0x99: {  	s19 =	simm.s32 $_scs_section_size  }
0x9a: {  	s4 =	simm.s32 $_size__tile_overlayer_lowered;
	s5 =	simm.s32 $_tile_overlayer_lowered  }
0x9b: {  	s22 =	simm.s32 $0x1BFF;
	s21 =	sshll.u32 s5, $0x1;
	s2 =	sadd.s32 s19, s18  }
0x9c: {  	s6 =	simm.s32 $0x0;
	s20 =	sshll.u32 s4, $0x1;
	s4 =	sadd.s32 s21, s2  }
0x9d: {  	[timem:s6], [sflag:s22] =	dma.local [hbm:s4], s20  }
0x9e: {  	_ =	swait.ge [sflag:s22], s20  }
0x9f: {  	s3 =	ssub.s32 $0x0, s20;
	[sflag:s22] =	ssyncset.done $0x0  }
0xa0: {  	[sflag:s22] =	ssyncadd.s32 s3;
	_ =	sdelay $0x1  }
0xa1: {  	s23 =	simm.s32 $0x1B8B  }
0xa2: {  	_ =	swait.ge [sflag:s23], $0x1  }
0xa3: {  	[sflag:s23] =	ssyncset.done $0x0  }
0xa4: {  	s25 =	simm.s32 $0x1B8E;
	s24 =	sld [smem:$0x3FFE];
	[sflag:s23] =	ssyncadd.s32 $0xFFFFFFFF  }
0xa5: {  	s26 =	simm.s32 $execute0_lowered;
	[smem:$0x3FD2] =	sst s25  }
0xa6: {  	s4 =	sshll.u32 s26, $0x1;
	_ =	strace $0x80000046;
	[dreg:$0x1] =	wrdreg $0xFFFFFFFF  }
0xa7: {  	s28 =	simm.s32 $_size_execute0_lowered;
	s2 =	sadd.s32 s2, s4;
	[dreg:$0x0] =	wrdreg $0x0  }
0xa8: {  	s4 =	sshll.u32 s28, $0x1;
	[dreg:$0x2] =	wrdreg s2  }
0xa9: {  	[dreg:$0x3] =	wrdreg s4  }
0xaa: {  	[dreg:$0x4] =	wrdreg $0xC0  }
0xab: {  	_ =	task [dreg:s6], $0x5FFFF  }
0xac: {  	[dreg:$0x1] =	wrdreg $0xFFFFFFFF  }
0xad: {  	[dreg:$0x0] =	wrdreg $0x60  }
0xae: {  	[dreg:$0x2] =	wrdreg s24  }
0xaf: {  	[dreg:$0x3] =	wrdreg $0xA8000  }
0xb0: {  	[dreg:$0x4] =	wrdreg $0x9  }
0xb1: {  	_ =	task.clear_ibuf [dreg:s6], $0x5FFFF;
	_ =	strace $0x90000046  }
0xb2: {  	s29 =	simm.s32 $0x9;
	_ =	strace $0x80000048  }
0xb3: {  	_ =	swait.ge [sflag:s29], $0x1  }
0xb4: {  	[sflag:s29] =	ssyncadd.s32 $0xFFFFFFFF  }
0xb5: {  	_ =	strace $0x90000048  }
0xb6: {  	_ =	sfence  }
0xb7: {  	s30 =	sld [smem:$0x0];
	_ =	sdelay $0x2  }
0xb8: {  	s31 =	sshll.u32 s1, $0xD;
	s1 =	sshrl.u32 s1, $0x2  }
0xb9: {  	s3 =	sand.u32 $0x4000, s31;
	s1 =	sadd.s32 s1, s30  }
0xba: {  	s0 =	sor.u32 s3, s0;
	s1 =	sshll.u32 s1, $0x11  }
0xbb: {  	s0 =	sor.u32 s1, s0  }
0xbc: {  	s0 =	sadd.s32 $0x8F2B, s0  }
0xbd: {  	[sflag:s0] =	ssyncadd.remote.s32 $0x1  }
0xbe: {  	_ =	sfence.sel $0xFFFF  }
0xbf: {  	[dreg:$0x0] =	wrdreg $0xFFFFFFFF;
	(pc) =	sbr.abs _section_cstart, $3  }
0xc0: {  	[dreg:$0x1] =	wrdreg $0xFFFFFFFF  }
0xc1: {  	_ =	task.clear_ibuf [dreg:s6], $0x2FFFF;
	_ =	strace $0x9FFFFFFF  }
0xc2: {  	(tm) =	ssettm $0x7FFFFFFF  }
0xc3: {  	_ =	shalt  }
tec
execute0_lowered:
.L_overlay_start_1:
0x0: {  	(tag) =	ssettag $0x1  }
0x1: {  	s0 =	rddreg [dreg:$0x0]  }
0x2: {  	s2 =	rddreg [dreg:$0x1];
	s3 =	simm.s32 $0x0  }
0x3: {  	s13 =	stileid.u32;
	s5 =	srdreg.scid;
	s28 =	simm.s32 $0x1  }
0x4: {  	s29 =	simm.s32 $0x2;
	s30 =	simm.s32 $0x2700;
	s31 =	simm.s32 $0x2780  }
0x5: {  	[smem:$0x7FF] =	sst s3;
	s1 =	smul.u32 $0x2800, s13;
	s6 =	sadd.s32 $0x5C000, s0  }
0x6: {  	s11 =	sadd.s32 $0x52000, s0;
	s4 =	sadd.s32 $0x2A000, s0;
	s8 =	smul.u32 $0x50000, s13  }
0x7: {  	s7 =	sand.u32 $0x1, s5;
	s18 =	smul.u32 $0x280, s13;
	s22 =	sshll.u32 s13, $0x6  }
0x8: {  	_ =	strace $0x80000047;
	s5 =	sshll.u32 s7, $0x4;
	s9 =	ssub.s32 $0x2, s7  }
0x9: {  	s1 =	sadd.s32 s1, s0;
	s0 =	sadd.s32 $0x8E000, s0;
	s10 =	sor.u32 s13, s5  }
0xa: {  	s19 =	sshrl.u32 s9, $0x1;
	s8 =	sshrl.u32 s8, $0x2;
	s26 =	sadd.s32 $0x80, s18  }
0xb: {  	s15 =	sadd.s32 $0x100, s18;
	s12 =	smul.u32 $0x500, s10;
	s21 =	ssub.s32 s9, s19  }
0xc: {  	s5 =	sadd.s32 s8, s2;
	s20 =	smul.u32 $0x2800, s10;
	s1 =	sadd.s32 $0x66000, s1  }
0xd: {  	s19 =	smul.u32 $0x2800, s7;
	s14 =	sshll.u32 s26, $0x7;
	s17 =	sshll.u32 s15, $0x7  }
0xe: {  	[dreg:$0x3] =	wrdreg s1;
	s1 =	sor.u32 $0x1C03, s22;
	s13 =	sadd.s32 s14, s2  }
0xf: {  	s21 =	smax.u32 s21, $0x1;
	[dreg:$0x4] =	wrdreg s1;
	s8 =	sadd.s32 s6, s12  }
0x10: {  	s23 =	sshrl.u32 s20, $0x3;
	s9 =	sadd.s32 s11, s12;
	s24 =	sadd.s32 s18, s19  }
0x11: {  	s7 =	sadd.s32 s19, s26;
	s16 =	sadd.s32 s19, s15;
	s20 =	sadd.s32 $0x180, s18  }
0x12: {  	s15 =	sadd.s32 s17, s2;
	s1 =	sadd.s32 $0x280, s23;
	s25 =	sshll.u32 s24, $0x4  }
0x13: {  	s22 =	sshll.u32 s20, $0x7;
	s23 =	sadd.s32 s19, s20;
	s24 =	sadd.s32 $0x200, s18  }
0x14: {  	s10 =	sadd.s32 s6, s1;
	s11 =	sadd.s32 s11, s1;
	s12 =	sadd.s32 s0, s25  }
0x15: {  	s1 =	sshll.u32 s7, $0x4;
	s17 =	sadd.s32 s22, s2;
	s25 =	sshll.u32 s24, $0x7  }
0x16: {  	s6 =	sadd.s32 s19, s24;
	s22 =	simm.s32 $0x3;
	s24 =	simm.s32 $0x80  }
0x17: {  	s14 =	sadd.s32 s0, s1;
	s1 =	sshll.u32 s16, $0x4;
	s19 =	sadd.s32 s25, s2  }
0x18: {  	s26 =	sshll.u32 s6, $0x4;
	s25 =	simm.s32 $0x2800;
	s16 =	sadd.s32 s0, s1  }
0x19: {  	s1 =	sshll.u32 s23, $0x4;
	s20 =	sadd.s32 s0, s26;
	s23 =	simm.s32 $0x1400  }
0x1a: {  	s26 =	simm.s32 $0x6800;
	s18 =	sadd.s32 s0, s1;
	s0 =	simm.s32 $0x0  }
.LBB2_1:
0x1b: {  	s6 =	rddreg [dreg:$0x3]  }
0x1c: {  	s1 =	sshrl.u32 s5, $0x3;
	s7 =	rddreg [dreg:$0x4]  }
0x1d: {  	[spmem:s1], [sflag:s7] =	dma.local [hbm:s6], $0x2800  }
0x1e: {  	_ =	swait.ge [sflag:s22], $0x2800  }
0x1f: {  	[sflag:s22] =	ssyncset.done $0x0  }
0x20: {  	[sflag:s22] =	ssyncadd.s32 $0xFFFFD800  }
0x21: {  	[bflag:$0x0] =	sbarrier.arrive $0xFFFF  }
0x22: {  	[tilespmem:s3], [sflag:$0x3] =	stream.linear.gather [hbm4b:s8+s3], $0x1400, $0x38;
	[tilespmem:$0x1E800] =	vst v63  }
0x23: {  	_ =	swait.ge [sflag:s22], $0x1400  }
0x24: {  	[sflag:s22] =	ssyncset.done $0x0  }
0x25: {  	[sflag:s22] =	ssyncadd.s32 $0xFFFFEC00  }
0x26: {  	[tilespmem:s23], [sflag:$0x3] =	stream.linear.gather [hbm4b:s9+s3], $0x1400, $0x38;
	[tilespmem:$0x1E800] =	vst v63  }
0x27: {  	_ =	swait.ge [sflag:s22], $0x1400  }
0x28: {  	[sflag:s22] =	ssyncset.done $0x0  }
0x29: {  	[sflag:s22] =	ssyncadd.s32 $0xFFFFEC00  }
0x2a: {  	[tilespmem:s25], [sflag:$0x1] =	stream.indirect.gather [hbm4b:s4+s24], $0x80, s3, s24, $0xb8;
	[tilespmem:$0x1E800] =	vst v63  }
0x2b: {  	_ = 	snop  }
0x2c: {  	[tilespmem:s26], [sflag:$0x2] =	stream.indirect.gather [hbm4b:s4+s24], $0x80, s24, s24, $0xb8;
	[tilespmem:$0x1E800] =	vst v63  }
0x2d: {  	_ =	swait.ge [sflag:s28], $0x4000  }
0x2e: {  	[sflag:s28] =	ssyncset.done $0x0  }
0x2f: {  	s7 =	simm.s32 $0x1400;
	[sflag:s28] =	ssyncadd.s32 $0xFFFFC000  }
0x30: {  	[spmem:s2] =	stream.indirect.scatter.add.f32 [tilespmem:s25], [sflag:$0x3], $0x80, s7, s24, $0xb8;
	[tilespmem:$0x1E800] =	vst v63  }
0x31: {  	_ =	swait.ge [sflag:s22], $0x4000  }
0x32: {  	[sflag:s22] =	ssyncset.done $0x0  }
0x33: {  	s6 =	simm.s32 $0x100;
	[sflag:s22] =	ssyncadd.s32 $0xFFFFC000  }
0x34: {  	[tilespmem:s25], [sflag:$0x1] =	stream.indirect.gather [hbm4b:s4+s24], $0x80, s6, s24, $0xb8;
	[tilespmem:$0x1E800] =	vst v63  }
0x35: {  	_ =	swait.ge [sflag:s29], $0x4000  }
0x36: {  	[sflag:s29] =	ssyncset.done $0x0  }
0x37: {  	s7 =	simm.s32 $0x1480;
	[sflag:s29] =	ssyncadd.s32 $0xFFFFC000  }
0x38: {  	[spmem:s2] =	stream.indirect.scatter.add.f32 [tilespmem:s26], [sflag:$0x3], $0x80, s7, s24, $0xb8;
	[tilespmem:$0x1E800] =	vst v63  }
0x39: {  	_ =	swait.ge [sflag:s22], $0x4000  }
0x3a: {  	[sflag:s22] =	ssyncset.done $0x0  }
0x3b: {  	s1 =	simm.s32 $0x400;
	s6 =	simm.s32 $0x180;
	[sflag:s22] =	ssyncadd.s32 $0xFFFFC000  }
.LBB2_2:
0x3c: {  	[tilespmem:s26], [sflag:$0x2] =	stream.indirect.gather [hbm4b:s4+s24], $0x80, s6, s24, $0xb8;
	[tilespmem:$0x1E800] =	vst v63  }
0x3d: {  	s6 =	smov.u32 s1  }
0x3e: {  	p0 =	sne.s32 s1, $0x4800;
	s1 =	sadd.s32 $0x400, s1;
	_ =	swait.ge [sflag:s28], $0x4000  }
0x3f: {  	s6 =	sshra.s32 s6, $0x2;
	[sflag:s28] =	ssyncset.done $0x0  }
0x40: {  	s7 =	sadd.s32 $0x1400, s6;
	[sflag:s28] =	ssyncadd.s32 $0xFFFFC000  }
0x41: {  	[spmem:s2] =	stream.indirect.scatter.add.f32 [tilespmem:s25], [sflag:$0x3], $0x80, s7, s24, $0xb8;
	[tilespmem:$0x1E800] =	vst v63  }
0x42: {  	_ =	swait.ge [sflag:s22], $0x4000  }
0x43: {  	[sflag:s22] =	ssyncset.done $0x0  }
0x44: {  	s7 =	sadd.s32 $0x100, s6;
	[sflag:s22] =	ssyncadd.s32 $0xFFFFC000  }
0x45: {  	[tilespmem:s25], [sflag:$0x1] =	stream.indirect.gather [hbm4b:s4+s24], $0x80, s7, s24, $0xb8;
	[tilespmem:$0x1E800] =	vst v63  }
0x46: {  	_ =	swait.ge [sflag:s29], $0x4000  }
0x47: {  	[sflag:s29] =	ssyncset.done $0x0  }
.Ltmp0:
0x48: {  	s7 =	sadd.s32 $0x1480, s6;
	[sflag:s29] =	ssyncadd.s32 $0xFFFFC000;
	(pc) =	sbr.rel @p0 .LBB2_2-.Ltmp0, $4  }
0x49: {  	[spmem:s2] =	stream.indirect.scatter.add.f32 [tilespmem:s26], [sflag:$0x3], $0x80, s7, s24, $0xb8;
	[tilespmem:$0x1E800] =	vst v63  }
0x4a: {  	_ =	swait.ge [sflag:s22], $0x4000  }
0x4b: {  	[sflag:s22] =	ssyncset.done $0x0  }
0x4c: {  	s6 =	sadd.s32 $0x180, s6;
	[sflag:s22] =	ssyncadd.s32 $0xFFFFC000  }
0x4d: {  	[tilespmem:s26], [sflag:$0x2] =	stream.indirect.gather [hbm4b:s4+s24], $0x80, s6, s24, $0xb8;
	[tilespmem:$0x1E800] =	vst v63  }
0x4e: {  	_ =	swait.ge [sflag:s28], $0x4000  }
0x4f: {  	[sflag:s28] =	ssyncset.done $0x0  }
0x50: {  	[sflag:s28] =	ssyncadd.s32 $0xFFFFC000  }
0x51: {  	[spmem:s2] =	stream.indirect.scatter.add.f32 [tilespmem:s25], [sflag:$0x3], $0x80, s30, s24, $0xb8;
	[tilespmem:$0x1E800] =	vst v63  }
0x52: {  	_ =	swait.ge [sflag:s22], $0x4000  }
0x53: {  	[sflag:s22] =	ssyncset.done $0x0  }
0x54: {  	[sflag:s22] =	ssyncadd.s32 $0xFFFFC000  }
0x55: {  	_ =	swait.ge [sflag:s29], $0x4000  }
0x56: {  	[sflag:s29] =	ssyncset.done $0x0  }
0x57: {  	[sflag:s29] =	ssyncadd.s32 $0xFFFFC000  }
0x58: {  	[spmem:s2] =	stream.indirect.scatter.add.f32 [tilespmem:s26], [sflag:$0x3], $0x80, s31, s24, $0xb8;
	[tilespmem:$0x1E800] =	vst v63  }
0x59: {  	_ =	swait.ge [sflag:s22], $0x4000  }
0x5a: {  	[sflag:s22] =	ssyncset.done $0x0  }
0x5b: {  	s1 =	simm.s32 $0x0;
	[sflag:s22] =	ssyncadd.s32 $0xFFFFC000  }
0x5c: {  	[tilespmem:s1], [sflag:$0x3] =	stream.linear.gather [hbm4b:s10+s1], $0x1400, $0x38;
	[tilespmem:$0x1E800] =	vst v63  }
0x5d: {  	_ =	swait.ge [sflag:s22], $0x1400  }
0x5e: {  	[sflag:s22] =	ssyncset.done $0x0  }
0x5f: {  	[sflag:s22] =	ssyncadd.s32 $0xFFFFEC00  }
0x60: {  	[tilespmem:s23], [sflag:$0x3] =	stream.linear.gather [hbm4b:s11+s1], $0x1400, $0x38;
	[tilespmem:$0x1E800] =	vst v63  }
0x61: {  	_ =	swait.ge [sflag:s22], $0x1400  }
0x62: {  	[sflag:s22] =	ssyncset.done $0x0  }
0x63: {  	[sflag:s22] =	ssyncadd.s32 $0xFFFFEC00  }
0x64: {  	[tilespmem:s25], [sflag:$0x1] =	stream.indirect.gather [hbm4b:s4+s24], $0x80, s1, s24, $0xb8;
	[tilespmem:$0x1E800] =	vst v63  }
0x65: {  	_ = 	snop  }
0x66: {  	[tilespmem:s26], [sflag:$0x2] =	stream.indirect.gather [hbm4b:s4+s24], $0x80, s24, s24, $0xb8;
	[tilespmem:$0x1E800] =	vst v63  }
0x67: {  	_ =	swait.ge [sflag:s28], $0x4000  }
0x68: {  	[sflag:s28] =	ssyncset.done $0x0  }
0x69: {  	s7 =	simm.s32 $0x1400;
	[sflag:s28] =	ssyncadd.s32 $0xFFFFC000  }
0x6a: {  	[spmem:s2] =	stream.indirect.scatter.add.f32 [tilespmem:s25], [sflag:$0x3], $0x80, s7, s24, $0xb8;
	[tilespmem:$0x1E800] =	vst v63  }
0x6b: {  	_ =	swait.ge [sflag:s22], $0x4000  }
0x6c: {  	[sflag:s22] =	ssyncset.done $0x0  }
0x6d: {  	s6 =	simm.s32 $0x100;
	[sflag:s22] =	ssyncadd.s32 $0xFFFFC000  }
0x6e: {  	[tilespmem:s25], [sflag:$0x1] =	stream.indirect.gather [hbm4b:s4+s24], $0x80, s6, s24, $0xb8;
	[tilespmem:$0x1E800] =	vst v63  }
0x6f: {  	_ =	swait.ge [sflag:s29], $0x4000  }
0x70: {  	[sflag:s29] =	ssyncset.done $0x0  }
0x71: {  	s7 =	simm.s32 $0x1480;
	[sflag:s29] =	ssyncadd.s32 $0xFFFFC000  }
0x72: {  	[spmem:s2] =	stream.indirect.scatter.add.f32 [tilespmem:s26], [sflag:$0x3], $0x80, s7, s24, $0xb8;
	[tilespmem:$0x1E800] =	vst v63  }
0x73: {  	_ =	swait.ge [sflag:s22], $0x4000  }
0x74: {  	[sflag:s22] =	ssyncset.done $0x0  }
0x75: {  	s1 =	simm.s32 $0x400;
	s6 =	simm.s32 $0x180;
	[sflag:s22] =	ssyncadd.s32 $0xFFFFC000  }
.LBB2_4:
0x76: {  	[tilespmem:s26], [sflag:$0x2] =	stream.indirect.gather [hbm4b:s4+s24], $0x80, s6, s24, $0xb8;
	[tilespmem:$0x1E800] =	vst v63  }
0x77: {  	s6 =	smov.u32 s1  }
0x78: {  	p0 =	sne.s32 s1, $0x4800;
	s1 =	sadd.s32 $0x400, s1;
	_ =	swait.ge [sflag:s28], $0x4000  }
0x79: {  	s6 =	sshra.s32 s6, $0x2;
	[sflag:s28] =	ssyncset.done $0x0  }
0x7a: {  	s7 =	sadd.s32 $0x1400, s6;
	[sflag:s28] =	ssyncadd.s32 $0xFFFFC000  }
0x7b: {  	[spmem:s2] =	stream.indirect.scatter.add.f32 [tilespmem:s25], [sflag:$0x3], $0x80, s7, s24, $0xb8;
	[tilespmem:$0x1E800] =	vst v63  }
0x7c: {  	_ =	swait.ge [sflag:s22], $0x4000  }
0x7d: {  	[sflag:s22] =	ssyncset.done $0x0  }
0x7e: {  	s7 =	sadd.s32 $0x100, s6;
	[sflag:s22] =	ssyncadd.s32 $0xFFFFC000  }
0x7f: {  	[tilespmem:s25], [sflag:$0x1] =	stream.indirect.gather [hbm4b:s4+s24], $0x80, s7, s24, $0xb8;
	[tilespmem:$0x1E800] =	vst v63  }
0x80: {  	_ =	swait.ge [sflag:s29], $0x4000  }
0x81: {  	[sflag:s29] =	ssyncset.done $0x0  }
.Ltmp1:
0x82: {  	s7 =	sadd.s32 $0x1480, s6;
	[sflag:s29] =	ssyncadd.s32 $0xFFFFC000;
	(pc) =	sbr.rel @p0 .LBB2_4-.Ltmp1, $4  }
0x83: {  	[spmem:s2] =	stream.indirect.scatter.add.f32 [tilespmem:s26], [sflag:$0x3], $0x80, s7, s24, $0xb8;
	[tilespmem:$0x1E800] =	vst v63  }
0x84: {  	_ =	swait.ge [sflag:s22], $0x4000  }
0x85: {  	[sflag:s22] =	ssyncset.done $0x0  }
0x86: {  	s6 =	sadd.s32 $0x180, s6;
	[sflag:s22] =	ssyncadd.s32 $0xFFFFC000  }
0x87: {  	[tilespmem:s26], [sflag:$0x2] =	stream.indirect.gather [hbm4b:s4+s24], $0x80, s6, s24, $0xb8;
	[tilespmem:$0x1E800] =	vst v63  }
0x88: {  	_ =	swait.ge [sflag:s28], $0x4000  }
0x89: {  	[sflag:s28] =	ssyncset.done $0x0  }
0x8a: {  	[sflag:s28] =	ssyncadd.s32 $0xFFFFC000  }
0x8b: {  	[spmem:s2] =	stream.indirect.scatter.add.f32 [tilespmem:s25], [sflag:$0x3], $0x80, s30, s24, $0xb8;
	[tilespmem:$0x1E800] =	vst v63  }
0x8c: {  	_ =	swait.ge [sflag:s22], $0x4000  }
0x8d: {  	[sflag:s22] =	ssyncset.done $0x0  }
0x8e: {  	[sflag:s22] =	ssyncadd.s32 $0xFFFFC000  }
0x8f: {  	_ =	swait.ge [sflag:s29], $0x4000  }
0x90: {  	[sflag:s29] =	ssyncset.done $0x0  }
0x91: {  	[sflag:s29] =	ssyncadd.s32 $0xFFFFC000  }
0x92: {  	[spmem:s2] =	stream.indirect.scatter.add.f32 [tilespmem:s26], [sflag:$0x3], $0x80, s31, s24, $0xb8;
	[tilespmem:$0x1E800] =	vst v63  }
0x93: {  	_ =	swait.ge [sflag:s22], $0x4000  }
0x94: {  	[sflag:s22] =	ssyncset.done $0x0  }
0x95: {  	[sflag:s22] =	ssyncadd.s32 $0xFFFFC000  }
0x96: {  	[bflag:$0x0] =	sbarrier.arrive $0xFFFF  }
0x97: {  	[tilespmem:s25], [sflag:$0x3] =	stream.linear.gather [spmem:s5], $0x4000, $0x38;
	[tilespmem:$0x1E800] =	vst v63  }
0x98: {  	_ =	swait.ge [sflag:s22], $0x4000  }
0x99: {  	[sflag:s22] =	ssyncset.done $0x0  }
0x9a: {  	[sflag:s22] =	ssyncadd.s32 $0xFFFFC000  }
0x9b: {  	[hbm4b:s12+s3] =	stream.linear.scatter [tilespmem:s25], [sflag:$0x3], $0x4000, $0x38;
	[tilespmem:$0x1E800] =	vst v63  }
0x9c: {  	_ =	swait.ge [sflag:s22], $0x4000  }
0x9d: {  	[sflag:s22] =	ssyncset.done $0x0  }
0x9e: {  	[sflag:s22] =	ssyncadd.s32 $0xFFFFC000  }
0x9f: {  	[tilespmem:s25], [sflag:$0x3] =	stream.linear.gather [spmem:s13], $0x4000, $0x38;
	[tilespmem:$0x1E800] =	vst v63  }
0xa0: {  	_ =	swait.ge [sflag:s22], $0x4000  }
0xa1: {  	[sflag:s22] =	ssyncset.done $0x0  }
0xa2: {  	[sflag:s22] =	ssyncadd.s32 $0xFFFFC000  }
0xa3: {  	[hbm4b:s14+s3] =	stream.linear.scatter [tilespmem:s25], [sflag:$0x3], $0x4000, $0x38;
	[tilespmem:$0x1E800] =	vst v63  }
0xa4: {  	_ =	swait.ge [sflag:s22], $0x4000  }
0xa5: {  	[sflag:s22] =	ssyncset.done $0x0  }
0xa6: {  	[sflag:s22] =	ssyncadd.s32 $0xFFFFC000  }
0xa7: {  	[tilespmem:s25], [sflag:$0x3] =	stream.linear.gather [spmem:s15], $0x4000, $0x38;
	[tilespmem:$0x1E800] =	vst v63  }
0xa8: {  	_ =	swait.ge [sflag:s22], $0x4000  }
0xa9: {  	[sflag:s22] =	ssyncset.done $0x0  }
0xaa: {  	[sflag:s22] =	ssyncadd.s32 $0xFFFFC000  }
0xab: {  	[hbm4b:s16+s3] =	stream.linear.scatter [tilespmem:s25], [sflag:$0x3], $0x4000, $0x38;
	[tilespmem:$0x1E800] =	vst v63  }
0xac: {  	_ =	swait.ge [sflag:s22], $0x4000  }
0xad: {  	[sflag:s22] =	ssyncset.done $0x0  }
0xae: {  	[sflag:s22] =	ssyncadd.s32 $0xFFFFC000  }
0xaf: {  	[tilespmem:s25], [sflag:$0x3] =	stream.linear.gather [spmem:s17], $0x4000, $0x38;
	[tilespmem:$0x1E800] =	vst v63  }
0xb0: {  	_ =	swait.ge [sflag:s22], $0x4000  }
0xb1: {  	[sflag:s22] =	ssyncset.done $0x0  }
0xb2: {  	[sflag:s22] =	ssyncadd.s32 $0xFFFFC000  }
0xb3: {  	[hbm4b:s18+s3] =	stream.linear.scatter [tilespmem:s25], [sflag:$0x3], $0x4000, $0x38;
	[tilespmem:$0x1E800] =	vst v63  }
0xb4: {  	_ =	swait.ge [sflag:s22], $0x4000  }
0xb5: {  	[sflag:s22] =	ssyncset.done $0x0  }
0xb6: {  	[sflag:s22] =	ssyncadd.s32 $0xFFFFC000  }
0xb7: {  	[tilespmem:s25], [sflag:$0x3] =	stream.linear.gather [spmem:s19], $0x4000, $0x38;
	[tilespmem:$0x1E800] =	vst v63  }
0xb8: {  	s0 =	sadd.s32 $0x1, s0;
	_ =	swait.ge [sflag:s22], $0x4000  }
0xb9: {  	p0 =	sne.s32 s0, s21;
	[sflag:s22] =	ssyncset.done $0x0  }
.Ltmp2:
0xba: {  	[sflag:s22] =	ssyncadd.s32 $0xFFFFC000;
	(pc) =	sbr.rel @p0 .LBB2_1-.Ltmp2, $4  }
0xbb: {  	[hbm4b:s20+s3] =	stream.linear.scatter [tilespmem:s25], [sflag:$0x3], $0x4000, $0x38;
	[tilespmem:$0x1E800] =	vst v63  }
0xbc: {  	_ =	swait.ge [sflag:s22], $0x4000  }
0xbd: {  	[sflag:s22] =	ssyncset.done $0x0  }
0xbe: {  	[sflag:s22] =	ssyncadd.s32 $0xFFFFC000  }
0xbf: {  	_ =	sfence.sel $0x180000  }
0xc0: {  	[bflag:$0x0] =	sbarrier.arrive $0xFFFF  }
0xc1: {  	_ =	strace $0x90000047  }
0xc2: {  	s0 =	stileid.u32;
	[bflag:$0x2] =	sbarrier.arrive $0xFFFF  }
0xc3: {  	p0 =	sne.s32 s0, $0x0;
	s0 =	rddreg [dreg:$0x2]  }
0xc4: {  	s0 =	sadd.s32 @!p0 $0x100000, s0  }
0xc5: {  	[sflag:s0] =	ssyncadd.tile.s32 @!p0 $0x1;
	_ =	shalt  }
.Lfunc_end2:
_tile_overlayer_lowered:
.L_overlay_start_2:
0xc6: {  	(tag) =	ssettag $0x2  }
0xc7: {  	s0 =	rddreg [dreg:$0x0];
	s2 =	stileid.u32  }
0xc8: {  	s1 =	rddreg [dreg:$0x1];
	p0 =	sne.s32 s2, $0x0  }
0xc9: {  	s3 =	rddreg [dreg:$0x2];
	[bflag:$0x3] =	sbarrier.arrive $0xFFFF;
	s2 =	simm.s32 @!p0 $0x1C03  }
0xca: {  	[timem:s3], [sflag:s2] =	dma.local @!p0 [hbm:s0], s1  }
0xcb: {  	s0 =	simm.s32 @!p0 $0x3  }
0xcc: {  	_ =	swait.ge @!p0 [sflag:s0], s1  }
0xcd: {  	s1 =	ssub.s32 @!p0 $0x0, s1;
	[sflag:s0] =	ssyncset.done @!p0 $0x0  }
0xce: {  	[sflag:s0] =	ssyncadd.s32 @!p0 s1  }
0xcf: {  	[bflag:$0x3] =	sbarrier.arrive $0xFFFF  }
0xd0: {  	_ =	shalt  }

// kernel: body.17.cloned.1.call-start
scs
__scs_entry_jumppad:
0x0: {  	(pc) =	sbr.rel $0x88, $3  }
0x1: {  	(tag) =	ssettag $0x0;
	lr =	simm.s32 $0x1  }
0x2: {  	[smem:$0x3F96] =	sst lr;
	_ =	strace $0xD0000000  }
0x3: {  	_ = 	snop  }
0x4: {  	_ = 	snop  }
0x5: {  	_ = 	snop  }
0x6: {  	_ = 	snop  }
0x7: {  	_ = 	snop  }
__scs_overlays_trampoline_lowered:
0x8: {  	[smem:$0x3FA5] =	sst s0  }
0x9: {  	[smem:$0x3FA6] =	sst s1  }
0xa: {  	[smem:$0x3FA7] =	sst s2  }
0xb: {  	[smem:$0x3FA8] =	sst s3  }
0xc: {  	[smem:$0x3FA9] =	sst s4  }
0xd: {  	[smem:$0x3FAA] =	sst s5  }
0xe: {  	[smem:$0x3FAB] =	sst s6  }
0xf: {  	[smem:$0x3FAC] =	sst s7  }
0x10: {  	[smem:$0x3FAD] =	sst s8  }
0x11: {  	[smem:$0x3FAE] =	sst s9;
	s0 =	simm.s32 @!p0 $0x0  }
0x12: {  	s1 =	sld [smem:$0x3F94];
	s0 =	simm.s32 @p0 $0x1  }
0x13: {  	[smem:$0x3FAF] =	sst s0;
	s0 =	simm.s32 @!p1 $0x0  }
0x14: {  	s2 =	sld [smem:$0x3F93];
	s0 =	simm.s32 @p1 $0x1  }
0x15: {  	[smem:$0x3FB0] =	sst s0;
	s0 =	simm.s32 @!p2 $0x0  }
0x16: {  	s3 =	sld [smem:$0x3FDB];
	s0 =	simm.s32 @p2 $0x1  }
0x17: {  	s4 =	simm.s32 $0x1BF5;
	[smem:$0x3FB2] =	sst s0  }
0x18: {  	s0 =	sld [smem:$0x3F95];
	_ =	swait.ge [sflag:s4], $0x0  }
0x19: {  	s7 =	sld [smem:$0x3F96]  }
0x1a: {  	s8 =	sadd.s32 $0xFFFFE003, lr  }
0x1b: {  	s9 =	sadd.s32 $0xFFFFFEF7, lr;
	s5 =	simm.s32 $0xFFFFFFFF;
	p2 =	slt.u32 s8, $0xFFFFF086  }
0x1c: {  	p1 =	slt.u32 s9, $0xF7A;
	s5 =	simm.s32 @!p2 $0x0  }
0x1d: {  	s5 =	simm.s32 @p1 $0x1;
	p0 =	seq.s32 s7, s2  }
0x1e: {  	s7 =	smul.u32 @!p0 $0xF7A, s2;
	p2 =	seq.s32 @!p0 s5, $0x0  }
0x1f: {  	s9 =	smul.u32 $0xF7A, s1;
	s8 =	simm.s32 @!p0 $0x1BF5;
	p2 =	por !p2, p0  }
0x20: {  	[sflag:s8] =	ssyncset.s32 @!p0 $0xFFFFF086;
	s6 =	sadd.s32 @!p0 s3, s7;
	s7 =	simm.s32 @!p0 $0x108  }
0x21: {  	s3 =	sadd.s32 s3, s9;
	s6 =	sadd.s32 @!p0 $0x88, s6;
	s7 =	simm.s32 @p2 $0x1082  }
0x22: {  	[simem:s7], [sflag:s8] =	dma.local @!p0 [hbm:s6], $0xF7A  }
0x23: {  	s9 =	sor.u32 $0xD0000000, s2;
	s6 =	simm.s32 $0x108;
	_ =	swait.ge @!p0 [sflag:s8], $0x0  }
0x24: {  	s3 =	sadd.s32 $0x88, s3;
	s6 =	simm.s32 @!p1 $0x1082;
	[sflag:s4] =	ssyncset.s32 $0xFFFFF086  }
0x25: {  	[simem:s6], [sflag:s4] =	dma.local [hbm:s3], $0xF7A  }
0x26: {  	[smem:$0x3F96] =	sst s1;
	(tag) =	ssettag s2;
	_ =	strace s9  }
0x27: {  	s1 =	sld [smem:$0x3FA6]  }
0x28: {  	s2 =	sld [smem:$0x3FA7]  }
0x29: {  	s4 =	sld [smem:$0x3FA9]  }
0x2a: {  	p0 =	seq.s32 s5, $0x0;
	s5 =	sld [smem:$0x3FAA]  }
0x2b: {  	s6 =	sld [smem:$0x3FAB]  }
0x2c: {  	s7 =	sld [smem:$0x3FAC]  }
0x2d: {  	s3 =	simm.s32 $0x108;
	s8 =	sld [smem:$0x3FAD]  }
0x2e: {  	s3 =	simm.s32 @!p0 $0x1082;
	s9 =	sld [smem:$0x3FAE]  }
0x2f: {  	lr =	sadd.s32 s0, s3;
	s0 =	sld [smem:$0x3FA5]  }
0x30: {  	s3 =	sld [smem:$0x3FA8]  }
0x31: {  	[smem:$0x3FB1] =	sst s10  }
0x32: {  	s10 =	sld [smem:$0x3FAF];
	_ =	sdelay $0x3  }
0x33: {  	p0 =	seq.s32 s10, $0x1;
	s10 =	sld [smem:$0x3FB1];
	_ =	sdelay $0x3  }
0x34: {  	[smem:$0x3FB1] =	sst s10  }
0x35: {  	s10 =	sld [smem:$0x3FB0];
	_ =	sdelay $0x3  }
0x36: {  	p1 =	seq.s32 s10, $0x1;
	s10 =	sld [smem:$0x3FB1];
	_ =	sdelay $0x3  }
0x37: {  	[smem:$0x3FB1] =	sst s10  }
0x38: {  	s10 =	sld [smem:$0x3FB2]  }
0x39: {  	_ = 	snop;
	(pc) =	sbr.ind lr, $3  }
0x3a: {  	_ = 	snop  }
0x3b: {  	_ = 	snop  }
0x3c: {  	p2 =	seq.s32 s10, $0x1;
	s10 =	sld [smem:$0x3FB1]  }
0x3d: {  	_ =	shalt  }
0x3e: {  	_ =	shalt  }
0x3f: {  	_ =	shalt  }
0x40: {  	_ =	shalt  }
0x41: {  	_ =	shalt  }
0x42: {  	_ =	shalt  }
0x43: {  	_ =	shalt  }
0x44: {  	_ =	shalt  }
0x45: {  	_ =	shalt  }
0x46: {  	_ =	shalt  }
0x47: {  	_ =	shalt  }
0x48: {  	_ =	shalt  }
0x49: {  	_ =	shalt  }
0x4a: {  	_ =	shalt  }
0x4b: {  	_ =	shalt  }
0x4c: {  	_ =	shalt  }
0x4d: {  	_ =	shalt  }
0x4e: {  	_ =	shalt  }
0x4f: {  	_ =	shalt  }
0x50: {  	_ =	shalt  }
0x51: {  	_ =	shalt  }
0x52: {  	_ =	shalt  }
0x53: {  	_ =	shalt  }
0x54: {  	_ =	shalt  }
0x55: {  	_ =	shalt  }
0x56: {  	_ =	shalt  }
0x57: {  	_ =	shalt  }
0x58: {  	_ =	shalt  }
0x59: {  	_ =	shalt  }
0x5a: {  	_ =	shalt  }
0x5b: {  	_ =	shalt  }
0x5c: {  	_ =	shalt  }
0x5d: {  	_ =	shalt  }
0x5e: {  	_ =	shalt  }
0x5f: {  	_ =	shalt  }
0x60: {  	_ =	shalt  }
0x61: {  	_ =	shalt  }
0x62: {  	_ =	shalt  }
0x63: {  	_ =	shalt  }
0x64: {  	_ =	shalt  }
0x65: {  	_ =	shalt  }
0x66: {  	_ =	shalt  }
0x67: {  	_ =	shalt  }
0x68: {  	_ =	shalt  }
0x69: {  	_ =	shalt  }
0x6a: {  	_ =	shalt  }
0x6b: {  	_ =	shalt  }
0x6c: {  	_ =	shalt  }
0x6d: {  	_ =	shalt  }
0x6e: {  	_ =	shalt  }
0x6f: {  	_ =	shalt  }
0x70: {  	_ =	shalt  }
0x71: {  	_ =	shalt  }
0x72: {  	_ =	shalt  }
0x73: {  	_ =	shalt  }
0x74: {  	_ =	shalt  }
0x75: {  	_ =	shalt  }
0x76: {  	_ =	shalt  }
0x77: {  	_ =	shalt  }
0x78: {  	_ =	shalt  }
0x79: {  	_ =	shalt  }
0x7a: {  	_ =	shalt  }
0x7b: {  	_ =	shalt  }
0x7c: {  	_ =	shalt  }
0x7d: {  	_ =	shalt  }
0x7e: {  	_ =	shalt  }
0x7f: {  	_ =	shalt  }
0x80: {  	_ =	shalt  }
0x81: {  	_ =	shalt  }
0x82: {  	_ =	shalt  }
0x83: {  	_ =	shalt  }
0x84: {  	_ =	shalt  }
0x85: {  	_ =	shalt  }
0x86: {  	_ =	shalt  }
0x87: {  	_ =	shalt  }
.Lfunc_end0:
.L_simem_size_0:
called_computation.1_lowered:
.L_overlay_start_0:
0x88: {  	s2 =	sld [smem:$0x3FD9]  }
0x89: {  	s3 =	sld [smem:$0x3FFE];
	_ =	sdelay $0x1  }
0x8a: {  	s1 =	srdreg.scid  }
0x8b: {  	s0 =	sand.u32 $0x1, s1  }
0x8c: {  	s16 =	sshll.u32 s0, $0xA;
	s2 =	sadd.s32 s3, s2  }
0x8d: {  	s2 =	sadd.s32 s2, s16  }
0x8e: {  	[smem:$0x3FBD] =	sst s2  }
0x8f: {  	_ = 	snop  }
0x90: {  	(tm) =	ssettm $0x1  }
0x91: {  	s17 =	sld [smem:$0x3FFB];
	_ =	sdelay $0x3  }
0x92: {  	_ =	strace s17  }
0x93: {  	s2 =	sld [smem:$0x3FFC];
	_ =	sdelay $0x3  }
0x94: {  	_ =	strace s2  }
0x95: {  	s2 =	sld [smem:$0x3FFD];
	_ =	sdelay $0x3  }
0x96: {  	_ =	strace s2  }
0x97: {  	_ =	strace $0x8FFFFFFF  }
0x98: {  	s18 =	sld [smem:$0x3FDB];
	_ =	sdelay $0x1  }
0x99: {  	s19 =	simm.s32 $_scs_section_size  }
0x9a: {  	s4 =	simm.s32 $_size__tile_overlayer_lowered;
	s5 =	simm.s32 $_tile_overlayer_lowered  }
0x9b: {  	s22 =	simm.s32 $0x1BFF;
	s21 =	sshll.u32 s5, $0x1;
	s2 =	sadd.s32 s19, s18  }
0x9c: {  	s6 =	simm.s32 $0x0;
	s20 =	sshll.u32 s4, $0x1;
	s4 =	sadd.s32 s21, s2  }
0x9d: {  	[timem:s6], [sflag:s22] =	dma.local [hbm:s4], s20  }
0x9e: {  	_ =	swait.ge [sflag:s22], s20  }
0x9f: {  	s3 =	ssub.s32 $0x0, s20;
	[sflag:s22] =	ssyncset.done $0x0  }
0xa0: {  	[sflag:s22] =	ssyncadd.s32 s3;
	_ =	sdelay $0x1  }
0xa1: {  	s23 =	simm.s32 $0x1B8B  }
0xa2: {  	_ =	swait.ge [sflag:s23], $0x1  }
0xa3: {  	[sflag:s23] =	ssyncset.done $0x0  }
0xa4: {  	s25 =	simm.s32 $0x1B8E;
	s24 =	sld [smem:$0x3FFE];
	[sflag:s23] =	ssyncadd.s32 $0xFFFFFFFF  }
0xa5: {  	s26 =	simm.s32 $execute0_lowered;
	[smem:$0x3FD2] =	sst s25  }
0xa6: {  	s4 =	sshll.u32 s26, $0x1;
	_ =	strace $0x80000049;
	[dreg:$0x1] =	wrdreg $0xFFFFFFFF  }
0xa7: {  	s28 =	simm.s32 $_size_execute0_lowered;
	s2 =	sadd.s32 s2, s4;
	[dreg:$0x0] =	wrdreg $0x0  }
0xa8: {  	s4 =	sshll.u32 s28, $0x1;
	[dreg:$0x2] =	wrdreg s2  }
0xa9: {  	[dreg:$0x3] =	wrdreg s4  }
0xaa: {  	[dreg:$0x4] =	wrdreg $0xC0  }
0xab: {  	_ =	task [dreg:s6], $0x5FFFF  }
0xac: {  	[dreg:$0x1] =	wrdreg $0xFFFFFFFF  }
0xad: {  	[dreg:$0x0] =	wrdreg $0x60  }
0xae: {  	[dreg:$0x2] =	wrdreg s24  }
0xaf: {  	[dreg:$0x3] =	wrdreg $0xA8000  }
0xb0: {  	[dreg:$0x4] =	wrdreg $0x9  }
0xb1: {  	_ =	task.clear_ibuf [dreg:s6], $0x5FFFF;
	_ =	strace $0x90000049  }
0xb2: {  	s29 =	simm.s32 $0x9;
	_ =	strace $0x8000004B  }
0xb3: {  	_ =	swait.ge [sflag:s29], $0x1  }
0xb4: {  	[sflag:s29] =	ssyncadd.s32 $0xFFFFFFFF  }
0xb5: {  	_ =	strace $0x9000004B  }
0xb6: {  	_ =	sfence  }
0xb7: {  	s30 =	sld [smem:$0x0];
	_ =	sdelay $0x2  }
0xb8: {  	s31 =	sshll.u32 s1, $0xD;
	s1 =	sshrl.u32 s1, $0x2  }
0xb9: {  	s3 =	sand.u32 $0x4000, s31;
	s1 =	sadd.s32 s1, s30  }
0xba: {  	s0 =	sor.u32 s3, s0;
	s1 =	sshll.u32 s1, $0x11  }
0xbb: {  	s0 =	sor.u32 s1, s0  }
0xbc: {  	s0 =	sadd.s32 $0x8F2B, s0  }
0xbd: {  	[sflag:s0] =	ssyncadd.remote.s32 $0x1  }
0xbe: {  	_ =	sfence.sel $0xFFFF  }
0xbf: {  	[dreg:$0x0] =	wrdreg $0xFFFFFFFF;
	(pc) =	sbr.abs _section_cstart, $3  }
0xc0: {  	[dreg:$0x1] =	wrdreg $0xFFFFFFFF  }
0xc1: {  	_ =	task.clear_ibuf [dreg:s6], $0x2FFFF;
	_ =	strace $0x9FFFFFFF  }
0xc2: {  	(tm) =	ssettm $0x7FFFFFFF  }
0xc3: {  	_ =	shalt  }
tec
execute0_lowered:
.L_overlay_start_1:
0x0: {  	(tag) =	ssettag $0x1  }
0x1: {  	s0 =	rddreg [dreg:$0x0]  }
0x2: {  	s2 =	rddreg [dreg:$0x1];
	s3 =	simm.s32 $0x0  }
0x3: {  	s13 =	stileid.u32;
	s5 =	srdreg.scid;
	s28 =	simm.s32 $0x1  }
0x4: {  	s29 =	simm.s32 $0x2;
	s30 =	simm.s32 $0x2700;
	s31 =	simm.s32 $0x2780  }
0x5: {  	[smem:$0x7FF] =	sst s3;
	s1 =	smul.u32 $0x2800, s13;
	s6 =	sadd.s32 $0x52000, s0  }
0x6: {  	s11 =	sadd.s32 $0x5C000, s0;
	s4 =	sadd.s32 $0x2A000, s0;
	s8 =	smul.u32 $0x50000, s13  }
0x7: {  	s7 =	sand.u32 $0x1, s5;
	s18 =	smul.u32 $0x280, s13;
	s22 =	sshll.u32 s13, $0x6  }
0x8: {  	_ =	strace $0x8000004A;
	s5 =	sshll.u32 s7, $0x4;
	s9 =	ssub.s32 $0x2, s7  }
0x9: {  	s1 =	sadd.s32 s1, s0;
	s0 =	sadd.s32 $0x8E000, s0;
	s10 =	sor.u32 s13, s5  }
0xa: {  	s19 =	sshrl.u32 s9, $0x1;
	s8 =	sshrl.u32 s8, $0x2;
	s26 =	sadd.s32 $0x80, s18  }
0xb: {  	s15 =	sadd.s32 $0x100, s18;
	s12 =	smul.u32 $0x500, s10;
	s21 =	ssub.s32 s9, s19  }
0xc: {  	s5 =	sadd.s32 s8, s2;
	s20 =	smul.u32 $0x2800, s10;
	s1 =	sadd.s32 $0x66000, s1  }
0xd: {  	s19 =	smul.u32 $0x2800, s7;
	s14 =	sshll.u32 s26, $0x7;
	s17 =	sshll.u32 s15, $0x7  }
0xe: {  	[dreg:$0x3] =	wrdreg s1;
	s1 =	sor.u32 $0x1C03, s22;
	s13 =	sadd.s32 s14, s2  }
0xf: {  	s21 =	smax.u32 s21, $0x1;
	[dreg:$0x4] =	wrdreg s1;
	s8 =	sadd.s32 s6, s12  }
0x10: {  	s23 =	sshrl.u32 s20, $0x3;
	s9 =	sadd.s32 s11, s12;
	s24 =	sadd.s32 s18, s19  }
0x11: {  	s7 =	sadd.s32 s19, s26;
	s16 =	sadd.s32 s19, s15;
	s20 =	sadd.s32 $0x180, s18  }
0x12: {  	s15 =	sadd.s32 s17, s2;
	s1 =	sadd.s32 $0x280, s23;
	s25 =	sshll.u32 s24, $0x4  }
0x13: {  	s22 =	sshll.u32 s20, $0x7;
	s23 =	sadd.s32 s19, s20;
	s24 =	sadd.s32 $0x200, s18  }
0x14: {  	s10 =	sadd.s32 s6, s1;
	s11 =	sadd.s32 s11, s1;
	s12 =	sadd.s32 s0, s25  }
0x15: {  	s1 =	sshll.u32 s7, $0x4;
	s17 =	sadd.s32 s22, s2;
	s25 =	sshll.u32 s24, $0x7  }
0x16: {  	s6 =	sadd.s32 s19, s24;
	s22 =	simm.s32 $0x3;
	s24 =	simm.s32 $0x80  }
0x17: {  	s14 =	sadd.s32 s0, s1;
	s1 =	sshll.u32 s16, $0x4;
	s19 =	sadd.s32 s25, s2  }
0x18: {  	s26 =	sshll.u32 s6, $0x4;
	s25 =	simm.s32 $0x2800;
	s16 =	sadd.s32 s0, s1  }
0x19: {  	s1 =	sshll.u32 s23, $0x4;
	s20 =	sadd.s32 s0, s26;
	s23 =	simm.s32 $0x1400  }
0x1a: {  	s26 =	simm.s32 $0x6800;
	s18 =	sadd.s32 s0, s1;
	s0 =	simm.s32 $0x0  }
.LBB2_1:
0x1b: {  	s6 =	rddreg [dreg:$0x3]  }
0x1c: {  	s1 =	sshrl.u32 s5, $0x3;
	s7 =	rddreg [dreg:$0x4]  }
0x1d: {  	[spmem:s1], [sflag:s7] =	dma.local [hbm:s6], $0x2800  }
0x1e: {  	_ =	swait.ge [sflag:s22], $0x2800  }
0x1f: {  	[sflag:s22] =	ssyncset.done $0x0  }
0x20: {  	[sflag:s22] =	ssyncadd.s32 $0xFFFFD800  }
0x21: {  	[bflag:$0x0] =	sbarrier.arrive $0xFFFF  }
0x22: {  	[tilespmem:s3], [sflag:$0x3] =	stream.linear.gather [hbm4b:s8+s3], $0x1400, $0x38;
	[tilespmem:$0x1E800] =	vst v63  }
0x23: {  	_ =	swait.ge [sflag:s22], $0x1400  }
0x24: {  	[sflag:s22] =	ssyncset.done $0x0  }
0x25: {  	[sflag:s22] =	ssyncadd.s32 $0xFFFFEC00  }
0x26: {  	[tilespmem:s23], [sflag:$0x3] =	stream.linear.gather [hbm4b:s9+s3], $0x1400, $0x38;
	[tilespmem:$0x1E800] =	vst v63  }
0x27: {  	_ =	swait.ge [sflag:s22], $0x1400  }
0x28: {  	[sflag:s22] =	ssyncset.done $0x0  }
0x29: {  	[sflag:s22] =	ssyncadd.s32 $0xFFFFEC00  }
0x2a: {  	[tilespmem:s25], [sflag:$0x1] =	stream.indirect.gather [hbm4b:s4+s24], $0x80, s3, s24, $0xb8;
	[tilespmem:$0x1E800] =	vst v63  }
0x2b: {  	_ = 	snop  }
0x2c: {  	[tilespmem:s26], [sflag:$0x2] =	stream.indirect.gather [hbm4b:s4+s24], $0x80, s24, s24, $0xb8;
	[tilespmem:$0x1E800] =	vst v63  }
0x2d: {  	_ =	swait.ge [sflag:s28], $0x4000  }
0x2e: {  	[sflag:s28] =	ssyncset.done $0x0  }
0x2f: {  	s7 =	simm.s32 $0x1400;
	[sflag:s28] =	ssyncadd.s32 $0xFFFFC000  }
0x30: {  	[spmem:s2] =	stream.indirect.scatter.add.f32 [tilespmem:s25], [sflag:$0x3], $0x80, s7, s24, $0xb8;
	[tilespmem:$0x1E800] =	vst v63  }
0x31: {  	_ =	swait.ge [sflag:s22], $0x4000  }
0x32: {  	[sflag:s22] =	ssyncset.done $0x0  }
0x33: {  	s6 =	simm.s32 $0x100;
	[sflag:s22] =	ssyncadd.s32 $0xFFFFC000  }
0x34: {  	[tilespmem:s25], [sflag:$0x1] =	stream.indirect.gather [hbm4b:s4+s24], $0x80, s6, s24, $0xb8;
	[tilespmem:$0x1E800] =	vst v63  }
0x35: {  	_ =	swait.ge [sflag:s29], $0x4000  }
0x36: {  	[sflag:s29] =	ssyncset.done $0x0  }
0x37: {  	s7 =	simm.s32 $0x1480;
	[sflag:s29] =	ssyncadd.s32 $0xFFFFC000  }
0x38: {  	[spmem:s2] =	stream.indirect.scatter.add.f32 [tilespmem:s26], [sflag:$0x3], $0x80, s7, s24, $0xb8;
	[tilespmem:$0x1E800] =	vst v63  }
0x39: {  	_ =	swait.ge [sflag:s22], $0x4000  }
0x3a: {  	[sflag:s22] =	ssyncset.done $0x0  }
0x3b: {  	s1 =	simm.s32 $0x400;
	s6 =	simm.s32 $0x180;
	[sflag:s22] =	ssyncadd.s32 $0xFFFFC000  }
.LBB2_2:
0x3c: {  	[tilespmem:s26], [sflag:$0x2] =	stream.indirect.gather [hbm4b:s4+s24], $0x80, s6, s24, $0xb8;
	[tilespmem:$0x1E800] =	vst v63  }
0x3d: {  	s6 =	smov.u32 s1  }
0x3e: {  	p0 =	sne.s32 s1, $0x4800;
	s1 =	sadd.s32 $0x400, s1;
	_ =	swait.ge [sflag:s28], $0x4000  }
0x3f: {  	s6 =	sshra.s32 s6, $0x2;
	[sflag:s28] =	ssyncset.done $0x0  }
0x40: {  	s7 =	sadd.s32 $0x1400, s6;
	[sflag:s28] =	ssyncadd.s32 $0xFFFFC000  }
0x41: {  	[spmem:s2] =	stream.indirect.scatter.add.f32 [tilespmem:s25], [sflag:$0x3], $0x80, s7, s24, $0xb8;
	[tilespmem:$0x1E800] =	vst v63  }
0x42: {  	_ =	swait.ge [sflag:s22], $0x4000  }
0x43: {  	[sflag:s22] =	ssyncset.done $0x0  }
0x44: {  	s7 =	sadd.s32 $0x100, s6;
	[sflag:s22] =	ssyncadd.s32 $0xFFFFC000  }
0x45: {  	[tilespmem:s25], [sflag:$0x1] =	stream.indirect.gather [hbm4b:s4+s24], $0x80, s7, s24, $0xb8;
	[tilespmem:$0x1E800] =	vst v63  }
0x46: {  	_ =	swait.ge [sflag:s29], $0x4000  }
0x47: {  	[sflag:s29] =	ssyncset.done $0x0  }
.Ltmp0:
0x48: {  	s7 =	sadd.s32 $0x1480, s6;
	[sflag:s29] =	ssyncadd.s32 $0xFFFFC000;
	(pc) =	sbr.rel @p0 .LBB2_2-.Ltmp0, $4  }
0x49: {  	[spmem:s2] =	stream.indirect.scatter.add.f32 [tilespmem:s26], [sflag:$0x3], $0x80, s7, s24, $0xb8;
	[tilespmem:$0x1E800] =	vst v63  }
0x4a: {  	_ =	swait.ge [sflag:s22], $0x4000  }
0x4b: {  	[sflag:s22] =	ssyncset.done $0x0  }
0x4c: {  	s6 =	sadd.s32 $0x180, s6;
	[sflag:s22] =	ssyncadd.s32 $0xFFFFC000  }
0x4d: {  	[tilespmem:s26], [sflag:$0x2] =	stream.indirect.gather [hbm4b:s4+s24], $0x80, s6, s24, $0xb8;
	[tilespmem:$0x1E800] =	vst v63  }
0x4e: {  	_ =	swait.ge [sflag:s28], $0x4000  }
0x4f: {  	[sflag:s28] =	ssyncset.done $0x0  }
0x50: {  	[sflag:s28] =	ssyncadd.s32 $0xFFFFC000  }
0x51: {  	[spmem:s2] =	stream.indirect.scatter.add.f32 [tilespmem:s25], [sflag:$0x3], $0x80, s30, s24, $0xb8;
	[tilespmem:$0x1E800] =	vst v63  }
0x52: {  	_ =	swait.ge [sflag:s22], $0x4000  }
0x53: {  	[sflag:s22] =	ssyncset.done $0x0  }
0x54: {  	[sflag:s22] =	ssyncadd.s32 $0xFFFFC000  }
0x55: {  	_ =	swait.ge [sflag:s29], $0x4000  }
0x56: {  	[sflag:s29] =	ssyncset.done $0x0  }
0x57: {  	[sflag:s29] =	ssyncadd.s32 $0xFFFFC000  }
0x58: {  	[spmem:s2] =	stream.indirect.scatter.add.f32 [tilespmem:s26], [sflag:$0x3], $0x80, s31, s24, $0xb8;
	[tilespmem:$0x1E800] =	vst v63  }
0x59: {  	_ =	swait.ge [sflag:s22], $0x4000  }
0x5a: {  	[sflag:s22] =	ssyncset.done $0x0  }
0x5b: {  	s1 =	simm.s32 $0x0;
	[sflag:s22] =	ssyncadd.s32 $0xFFFFC000  }
0x5c: {  	[tilespmem:s1], [sflag:$0x3] =	stream.linear.gather [hbm4b:s10+s1], $0x1400, $0x38;
	[tilespmem:$0x1E800] =	vst v63  }
0x5d: {  	_ =	swait.ge [sflag:s22], $0x1400  }
0x5e: {  	[sflag:s22] =	ssyncset.done $0x0  }
0x5f: {  	[sflag:s22] =	ssyncadd.s32 $0xFFFFEC00  }
0x60: {  	[tilespmem:s23], [sflag:$0x3] =	stream.linear.gather [hbm4b:s11+s1], $0x1400, $0x38;
	[tilespmem:$0x1E800] =	vst v63  }
0x61: {  	_ =	swait.ge [sflag:s22], $0x1400  }
0x62: {  	[sflag:s22] =	ssyncset.done $0x0  }
0x63: {  	[sflag:s22] =	ssyncadd.s32 $0xFFFFEC00  }
0x64: {  	[tilespmem:s25], [sflag:$0x1] =	stream.indirect.gather [hbm4b:s4+s24], $0x80, s1, s24, $0xb8;
	[tilespmem:$0x1E800] =	vst v63  }
0x65: {  	_ = 	snop  }
0x66: {  	[tilespmem:s26], [sflag:$0x2] =	stream.indirect.gather [hbm4b:s4+s24], $0x80, s24, s24, $0xb8;
	[tilespmem:$0x1E800] =	vst v63  }
0x67: {  	_ =	swait.ge [sflag:s28], $0x4000  }
0x68: {  	[sflag:s28] =	ssyncset.done $0x0  }
0x69: {  	s7 =	simm.s32 $0x1400;
	[sflag:s28] =	ssyncadd.s32 $0xFFFFC000  }
0x6a: {  	[spmem:s2] =	stream.indirect.scatter.add.f32 [tilespmem:s25], [sflag:$0x3], $0x80, s7, s24, $0xb8;
	[tilespmem:$0x1E800] =	vst v63  }
0x6b: {  	_ =	swait.ge [sflag:s22], $0x4000  }
0x6c: {  	[sflag:s22] =	ssyncset.done $0x0  }
0x6d: {  	s6 =	simm.s32 $0x100;
	[sflag:s22] =	ssyncadd.s32 $0xFFFFC000  }
0x6e: {  	[tilespmem:s25], [sflag:$0x1] =	stream.indirect.gather [hbm4b:s4+s24], $0x80, s6, s24, $0xb8;
	[tilespmem:$0x1E800] =	vst v63  }
0x6f: {  	_ =	swait.ge [sflag:s29], $0x4000  }
0x70: {  	[sflag:s29] =	ssyncset.done $0x0  }
0x71: {  	s7 =	simm.s32 $0x1480;
	[sflag:s29] =	ssyncadd.s32 $0xFFFFC000  }
0x72: {  	[spmem:s2] =	stream.indirect.scatter.add.f32 [tilespmem:s26], [sflag:$0x3], $0x80, s7, s24, $0xb8;
	[tilespmem:$0x1E800] =	vst v63  }
0x73: {  	_ =	swait.ge [sflag:s22], $0x4000  }
0x74: {  	[sflag:s22] =	ssyncset.done $0x0  }
0x75: {  	s1 =	simm.s32 $0x400;
	s6 =	simm.s32 $0x180;
	[sflag:s22] =	ssyncadd.s32 $0xFFFFC000  }
.LBB2_4:
0x76: {  	[tilespmem:s26], [sflag:$0x2] =	stream.indirect.gather [hbm4b:s4+s24], $0x80, s6, s24, $0xb8;
	[tilespmem:$0x1E800] =	vst v63  }
0x77: {  	s6 =	smov.u32 s1  }
0x78: {  	p0 =	sne.s32 s1, $0x4800;
	s1 =	sadd.s32 $0x400, s1;
	_ =	swait.ge [sflag:s28], $0x4000  }
0x79: {  	s6 =	sshra.s32 s6, $0x2;
	[sflag:s28] =	ssyncset.done $0x0  }
0x7a: {  	s7 =	sadd.s32 $0x1400, s6;
	[sflag:s28] =	ssyncadd.s32 $0xFFFFC000  }
0x7b: {  	[spmem:s2] =	stream.indirect.scatter.add.f32 [tilespmem:s25], [sflag:$0x3], $0x80, s7, s24, $0xb8;
	[tilespmem:$0x1E800] =	vst v63  }
0x7c: {  	_ =	swait.ge [sflag:s22], $0x4000  }
0x7d: {  	[sflag:s22] =	ssyncset.done $0x0  }
0x7e: {  	s7 =	sadd.s32 $0x100, s6;
	[sflag:s22] =	ssyncadd.s32 $0xFFFFC000  }
0x7f: {  	[tilespmem:s25], [sflag:$0x1] =	stream.indirect.gather [hbm4b:s4+s24], $0x80, s7, s24, $0xb8;
	[tilespmem:$0x1E800] =	vst v63  }
0x80: {  	_ =	swait.ge [sflag:s29], $0x4000  }
0x81: {  	[sflag:s29] =	ssyncset.done $0x0  }
.Ltmp1:
0x82: {  	s7 =	sadd.s32 $0x1480, s6;
	[sflag:s29] =	ssyncadd.s32 $0xFFFFC000;
	(pc) =	sbr.rel @p0 .LBB2_4-.Ltmp1, $4  }
0x83: {  	[spmem:s2] =	stream.indirect.scatter.add.f32 [tilespmem:s26], [sflag:$0x3], $0x80, s7, s24, $0xb8;
	[tilespmem:$0x1E800] =	vst v63  }
0x84: {  	_ =	swait.ge [sflag:s22], $0x4000  }
0x85: {  	[sflag:s22] =	ssyncset.done $0x0  }
0x86: {  	s6 =	sadd.s32 $0x180, s6;
	[sflag:s22] =	ssyncadd.s32 $0xFFFFC000  }
0x87: {  	[tilespmem:s26], [sflag:$0x2] =	stream.indirect.gather [hbm4b:s4+s24], $0x80, s6, s24, $0xb8;
	[tilespmem:$0x1E800] =	vst v63  }
0x88: {  	_ =	swait.ge [sflag:s28], $0x4000  }
0x89: {  	[sflag:s28] =	ssyncset.done $0x0  }
0x8a: {  	[sflag:s28] =	ssyncadd.s32 $0xFFFFC000  }
0x8b: {  	[spmem:s2] =	stream.indirect.scatter.add.f32 [tilespmem:s25], [sflag:$0x3], $0x80, s30, s24, $0xb8;
	[tilespmem:$0x1E800] =	vst v63  }
0x8c: {  	_ =	swait.ge [sflag:s22], $0x4000  }
0x8d: {  	[sflag:s22] =	ssyncset.done $0x0  }
0x8e: {  	[sflag:s22] =	ssyncadd.s32 $0xFFFFC000  }
0x8f: {  	_ =	swait.ge [sflag:s29], $0x4000  }
0x90: {  	[sflag:s29] =	ssyncset.done $0x0  }
0x91: {  	[sflag:s29] =	ssyncadd.s32 $0xFFFFC000  }
0x92: {  	[spmem:s2] =	stream.indirect.scatter.add.f32 [tilespmem:s26], [sflag:$0x3], $0x80, s31, s24, $0xb8;
	[tilespmem:$0x1E800] =	vst v63  }
0x93: {  	_ =	swait.ge [sflag:s22], $0x4000  }
0x94: {  	[sflag:s22] =	ssyncset.done $0x0  }
0x95: {  	[sflag:s22] =	ssyncadd.s32 $0xFFFFC000  }
0x96: {  	[bflag:$0x0] =	sbarrier.arrive $0xFFFF  }
0x97: {  	[tilespmem:s25], [sflag:$0x3] =	stream.linear.gather [spmem:s5], $0x4000, $0x38;
	[tilespmem:$0x1E800] =	vst v63  }
0x98: {  	_ =	swait.ge [sflag:s22], $0x4000  }
0x99: {  	[sflag:s22] =	ssyncset.done $0x0  }
0x9a: {  	[sflag:s22] =	ssyncadd.s32 $0xFFFFC000  }
0x9b: {  	[hbm4b:s12+s3] =	stream.linear.scatter [tilespmem:s25], [sflag:$0x3], $0x4000, $0x38;
	[tilespmem:$0x1E800] =	vst v63  }
0x9c: {  	_ =	swait.ge [sflag:s22], $0x4000  }
0x9d: {  	[sflag:s22] =	ssyncset.done $0x0  }
0x9e: {  	[sflag:s22] =	ssyncadd.s32 $0xFFFFC000  }
0x9f: {  	[tilespmem:s25], [sflag:$0x3] =	stream.linear.gather [spmem:s13], $0x4000, $0x38;
	[tilespmem:$0x1E800] =	vst v63  }
0xa0: {  	_ =	swait.ge [sflag:s22], $0x4000  }
0xa1: {  	[sflag:s22] =	ssyncset.done $0x0  }
0xa2: {  	[sflag:s22] =	ssyncadd.s32 $0xFFFFC000  }
0xa3: {  	[hbm4b:s14+s3] =	stream.linear.scatter [tilespmem:s25], [sflag:$0x3], $0x4000, $0x38;
	[tilespmem:$0x1E800] =	vst v63  }
0xa4: {  	_ =	swait.ge [sflag:s22], $0x4000  }
0xa5: {  	[sflag:s22] =	ssyncset.done $0x0  }
0xa6: {  	[sflag:s22] =	ssyncadd.s32 $0xFFFFC000  }
0xa7: {  	[tilespmem:s25], [sflag:$0x3] =	stream.linear.gather [spmem:s15], $0x4000, $0x38;
	[tilespmem:$0x1E800] =	vst v63  }
0xa8: {  	_ =	swait.ge [sflag:s22], $0x4000  }
0xa9: {  	[sflag:s22] =	ssyncset.done $0x0  }
0xaa: {  	[sflag:s22] =	ssyncadd.s32 $0xFFFFC000  }
0xab: {  	[hbm4b:s16+s3] =	stream.linear.scatter [tilespmem:s25], [sflag:$0x3], $0x4000, $0x38;
	[tilespmem:$0x1E800] =	vst v63  }
0xac: {  	_ =	swait.ge [sflag:s22], $0x4000  }
0xad: {  	[sflag:s22] =	ssyncset.done $0x0  }
0xae: {  	[sflag:s22] =	ssyncadd.s32 $0xFFFFC000  }
0xaf: {  	[tilespmem:s25], [sflag:$0x3] =	stream.linear.gather [spmem:s17], $0x4000, $0x38;
	[tilespmem:$0x1E800] =	vst v63  }
0xb0: {  	_ =	swait.ge [sflag:s22], $0x4000  }
0xb1: {  	[sflag:s22] =	ssyncset.done $0x0  }
0xb2: {  	[sflag:s22] =	ssyncadd.s32 $0xFFFFC000  }
0xb3: {  	[hbm4b:s18+s3] =	stream.linear.scatter [tilespmem:s25], [sflag:$0x3], $0x4000, $0x38;
	[tilespmem:$0x1E800] =	vst v63  }
0xb4: {  	_ =	swait.ge [sflag:s22], $0x4000  }
0xb5: {  	[sflag:s22] =	ssyncset.done $0x0  }
0xb6: {  	[sflag:s22] =	ssyncadd.s32 $0xFFFFC000  }
0xb7: {  	[tilespmem:s25], [sflag:$0x3] =	stream.linear.gather [spmem:s19], $0x4000, $0x38;
	[tilespmem:$0x1E800] =	vst v63  }
0xb8: {  	s0 =	sadd.s32 $0x1, s0;
	_ =	swait.ge [sflag:s22], $0x4000  }
0xb9: {  	p0 =	sne.s32 s0, s21;
	[sflag:s22] =	ssyncset.done $0x0  }
.Ltmp2:
0xba: {  	[sflag:s22] =	ssyncadd.s32 $0xFFFFC000;
	(pc) =	sbr.rel @p0 .LBB2_1-.Ltmp2, $4  }
0xbb: {  	[hbm4b:s20+s3] =	stream.linear.scatter [tilespmem:s25], [sflag:$0x3], $0x4000, $0x38;
	[tilespmem:$0x1E800] =	vst v63  }
0xbc: {  	_ =	swait.ge [sflag:s22], $0x4000  }
0xbd: {  	[sflag:s22] =	ssyncset.done $0x0  }
0xbe: {  	[sflag:s22] =	ssyncadd.s32 $0xFFFFC000  }
0xbf: {  	_ =	sfence.sel $0x180000  }
0xc0: {  	[bflag:$0x0] =	sbarrier.arrive $0xFFFF  }
0xc1: {  	_ =	strace $0x9000004A  }
0xc2: {  	s0 =	stileid.u32;
	[bflag:$0x2] =	sbarrier.arrive $0xFFFF  }
0xc3: {  	p0 =	sne.s32 s0, $0x0;
	s0 =	rddreg [dreg:$0x2]  }
0xc4: {  	s0 =	sadd.s32 @!p0 $0x100000, s0  }
0xc5: {  	[sflag:s0] =	ssyncadd.tile.s32 @!p0 $0x1;
	_ =	shalt  }
.Lfunc_end2:
_tile_overlayer_lowered:
.L_overlay_start_2:
0xc6: {  	(tag) =	ssettag $0x2  }
0xc7: {  	s0 =	rddreg [dreg:$0x0];
	s2 =	stileid.u32  }
0xc8: {  	s1 =	rddreg [dreg:$0x1];
	p0 =	sne.s32 s2, $0x0  }
0xc9: {  	s3 =	rddreg [dreg:$0x2];
	[bflag:$0x3] =	sbarrier.arrive $0xFFFF;
	s2 =	simm.s32 @!p0 $0x1C03  }
0xca: {  	[timem:s3], [sflag:s2] =	dma.local @!p0 [hbm:s0], s1  }
0xcb: {  	s0 =	simm.s32 @!p0 $0x3  }
0xcc: {  	_ =	swait.ge @!p0 [sflag:s0], s1  }
0xcd: {  	s1 =	ssub.s32 @!p0 $0x0, s1;
	[sflag:s0] =	ssyncset.done @!p0 $0x0  }
0xce: {  	[sflag:s0] =	ssyncadd.s32 @!p0 s1  }
0xcf: {  	[bflag:$0x3] =	sbarrier.arrive $0xFFFF  }
0xd0: {  	_ =	shalt  }

</sc_bundles>
